<compile_context>
chip_gen: v7x
topology: tpu7x:2x2x1
jax: 0.10.2.dev20260603
libtpu: 0.0.44.dev20260713+nightly
codegen_flags: <defaults>
</compile_context>

<pallas_src>
import functools

import jax
import jax.numpy as jnp
from jax import lax
from jax.experimental import pallas as pl
from jax.experimental.pallas import tpu as pltpu
from jax.experimental.pallas import tpu_sc as plsc

B = 16384
N_MODES = 16
TYPES = 3
D_OBS = 10
D_H = 32
D_E = 8
D_Z1 = TYPES * D_H
D_A = D_Z1 + D_H
D_Z2 = TYPES * 16
D_Z3 = TYPES * N_MODES

PK = 128
VS0 = 16
WSLAB = 257
BSLAB = 9
ZROW = 17
AROW = 3

NC = 2
NS = 16
L = 16
NW = NC * NS
TPW = B // NW
VPW = TPW // L

BT = 8192


def _tc_body(obs_ref, wz1_ref, bz1_ref, wz2_ref, bz2_ref, wz3_ref, bz3_ref,
             wr_ref, br_ref, z_ref, pk_ref,
             wa_s, ba_s, w2_s, b2_s, w3_s):
    @pl.when(pl.program_id(0) == 0)
    def _prep():
        w2_s[...] = jnp.zeros((D_A, D_Z2), jnp.float32)
        for t in range(TYPES):
            wa_s[:, t * D_H:(t + 1) * D_H] = wz1_ref[t]
            ba_s[:, t * D_H:(t + 1) * D_H] = bz1_ref[t][None]
            w2_s[t * D_H:(t + 1) * D_H, 16 * t:16 * (t + 1)] = wz2_ref[t]
            b2_s[:, 16 * t:16 * (t + 1)] = bz2_ref[t][None]
            w3_s[16 * t:16 * (t + 1), :] = wz3_ref[t]
        wa_s[:, D_Z1:D_A] = wr_ref[...]
        ba_s[:, D_Z1:D_A] = br_ref[...]

    obs = obs_ref[...]
    tidi = obs[:, 8:9].astype(jnp.int32)
    a = jnp.maximum(
        jnp.dot(obs, wa_s[...], preferred_element_type=jnp.float32)
        + ba_s[...], 0.0)
    h2 = jnp.maximum(
        jnp.dot(a, w2_s[...], preferred_element_type=jnp.float32)
        + b2_s[...], 0.0)
    t48 = lax.broadcasted_iota(jnp.int32, (BT, D_Z2), 1) // 16
    h2m = jnp.where(t48 == tidi, h2, 0.0)
    t3 = lax.broadcasted_iota(jnp.int32, (BT, TYPES), 1)
    onehot = (t3 == tidi).astype(jnp.float32)
    z = (jnp.dot(h2m, w3_s[...], preferred_element_type=jnp.float32)
         + jnp.dot(onehot, bz3_ref[...],
                   preferred_element_type=jnp.float32))
    z_ref[...] = z
    pk_ref[:, 0:N_MODES] = z
    pk_ref[:, VS0:VS0 + D_H] = a[:, D_Z1:D_A]


def _tc_stage(obs, wz1, bz1, wz2, bz2, wz3, bz3, wr, br):
    rep2 = lambda shape: pl.BlockSpec(shape, lambda i: (0, 0))
    rep3 = lambda shape: pl.BlockSpec(shape, lambda i: (0, 0, 0))
    return pl.pallas_call(
        _tc_body,
        grid=(B // BT,),
        in_specs=[
            pl.BlockSpec((BT, D_OBS), lambda i: (i, 0)),
            rep3((TYPES, D_OBS, D_H)), rep2((TYPES, D_H)),
            rep3((TYPES, D_H, 16)), rep2((TYPES, 16)),
            rep3((TYPES, 16, N_MODES)), rep2((TYPES, N_MODES)),
            rep2((D_OBS, D_H)), rep2((1, D_H)),
        ],
        out_specs=[
            pl.BlockSpec((BT, N_MODES), lambda i: (i, 0)),
            pl.BlockSpec((BT, PK), lambda i: (i, 0)),
        ],
        out_shape=[
            jax.ShapeDtypeStruct((B, N_MODES), jnp.float32),
            jax.ShapeDtypeStruct((B, PK), jnp.float32),
        ],
        scratch_shapes=[
            pltpu.VMEM((D_OBS, D_A), jnp.float32),
            pltpu.VMEM((1, D_A), jnp.float32),
            pltpu.VMEM((D_A, D_Z2), jnp.float32),
            pltpu.VMEM((1, D_Z2), jnp.float32),
            pltpu.VMEM((D_Z2, N_MODES), jnp.float32),
        ],
    )(obs, wz1, bz1, wz2, bz2, wz3, bz3, wr, br)


def _sc_body(pk_hbm, wx1_h, bx1_h, wx2_h, bx2_h, wy1_h, by1_h, wy2_h, by2_h,
             act_hbm,
             pk_v, wx1_v, bx1_v, wx2_v, bx2_v, wy1_v, by1_v, wy2_v, by2_v,
             apad_v, act_v, sem):
    wid = lax.axis_index("s") * NC + lax.axis_index("c")
    base = wid * TPW
    copies = [
        pltpu.async_copy(pk_hbm.at[pl.ds(base * PK, TPW * PK)], pk_v, sem),
        pltpu.async_copy(wx1_h, wx1_v, sem),
        pltpu.async_copy(bx1_h, bx1_v, sem),
        pltpu.async_copy(wx2_h, wx2_v, sem),
        pltpu.async_copy(bx2_h, bx2_v, sem),
        pltpu.async_copy(wy1_h, wy1_v, sem),
        pltpu.async_copy(by1_h, by1_v, sem),
        pltpu.async_copy(wy2_h, wy2_v, sem),
        pltpu.async_copy(by2_h, by2_v, sem),
    ]
    for cp in copies:
        cp.wait()

    lane = lax.iota(jnp.int32, L)
    neg_inf = jnp.full((L,), -jnp.inf, jnp.float32)

    def per_vreg(v, c):
        tok = lane + v * L
        rb = tok * PK
        best_val = neg_inf
        best = jnp.zeros((L,), jnp.int32)
        for m in range(N_MODES):
            zm = plsc.load_gather(pk_v, [rb + m])
            gt = zm > best_val
            best_val = jnp.where(gt, zm, best_val)
            best = jnp.where(gt, m, best)

        mb1 = best * WSLAB
        mbb = best * BSLAB
        hx = tuple(plsc.load_gather(bx1_v, [mbb + k]) for k in range(D_E))
        hy = tuple(plsc.load_gather(by1_v, [mbb + k]) for k in range(D_E))
        vsb = rb + VS0

        def dstep(d8, carry):
            hx, hy = carry
            for dd in range(4):
                d = d8 * 4 + dd
                vsd = plsc.load_gather(pk_v, [vsb + d])
                wb = mb1 + d * D_E
                hx = tuple(hx[k] + vsd * plsc.load_gather(wx1_v, [wb + k])
                           for k in range(D_E))
                hy = tuple(hy[k] + vsd * plsc.load_gather(wy1_v, [wb + k])
                           for k in range(D_E))
            return hx, hy

        hx, hy = lax.fori_loop(0, D_H // 4, dstep, (hx, hy))
        lx = plsc.load_gather(bx2_v, [best])
        ly = plsc.load_gather(by2_v, [best])
        for k in range(D_E):
            lx = lx + jnp.maximum(hx[k], 0.0) * plsc.load_gather(wx2_v, [mbb + k])
            ly = ly + jnp.maximum(hy[k], 0.0) * plsc.load_gather(wy2_v, [mbb + k])
        ra = tok * AROW
        plsc.store_scatter(apad_v, [ra], lx)
        plsc.store_scatter(apad_v, [ra + 1], ly)
        return c

    lax.fori_loop(0, VPW, per_vreg, 0)

    apat = (lane // 2) * AROW + (lane % 2)

    def acompact(g, c):
        pair = plsc.load_gather(apad_v, [g * (8 * AROW) + apat])
        act_v[pl.ds(g * L, L)] = pair
        return c

    lax.fori_loop(0, TPW * 2 // L, acompact, 0)

    pltpu.sync_copy(act_v, act_hbm.at[pl.ds(base * 2, TPW * 2)])


_SC_SCRATCH = [
    pltpu.VMEM((TPW * PK,), jnp.float32),
    pltpu.VMEM((N_MODES * WSLAB,), jnp.float32),
    pltpu.VMEM((N_MODES * BSLAB,), jnp.float32),
    pltpu.VMEM((N_MODES * BSLAB,), jnp.float32),
    pltpu.VMEM((N_MODES,), jnp.float32),
    pltpu.VMEM((N_MODES * WSLAB,), jnp.float32),
    pltpu.VMEM((N_MODES * BSLAB,), jnp.float32),
    pltpu.VMEM((N_MODES * BSLAB,), jnp.float32),
    pltpu.VMEM((N_MODES,), jnp.float32),
    pltpu.VMEM((TPW * AROW,), jnp.float32),
    pltpu.VMEM((TPW * 2,), jnp.float32),
    pltpu.SemaphoreType.DMA,
]


@functools.cache
def _sc_stage_built():
    return functools.partial(
        pl.kernel,
        out_type=jax.ShapeDtypeStruct((B * 2,), jnp.float32),
        mesh=plsc.VectorSubcoreMesh(core_axis_name="c", subcore_axis_name="s",
                                    num_cores=NC, num_subcores=NS),
        scratch_types=_SC_SCRATCH,
        compiler_params=pltpu.CompilerParams(needs_layout_passes=False),
    )(_sc_body)


def _pad_slab(w, slab):
    e, n = w.shape
    return jnp.concatenate(
        [w, jnp.zeros((e, slab - n), w.dtype)], axis=1).reshape(-1)


def kernel(obs_vec, W_root, b_root, Wx1, bx1, Wx2, bx2, Wy1, by1, Wy2, by2,
           Wz1, bz1, Wz2, bz2, Wz3, bz3):
    z_logits, pk = _tc_stage(obs_vec, Wz1, bz1, Wz2, bz2, Wz3, bz3,
                             W_root, b_root.reshape(1, D_H))

    act_flat = _sc_stage_built()(
        pk.reshape(-1),
        _pad_slab(Wx1.reshape(N_MODES, D_H * D_E), WSLAB),
        _pad_slab(bx1, BSLAB),
        _pad_slab(Wx2[:, :, 0], BSLAB), bx2[:, 0],
        _pad_slab(Wy1.reshape(N_MODES, D_H * D_E), WSLAB),
        _pad_slab(by1, BSLAB),
        _pad_slab(Wy2[:, :, 0], BSLAB), by2[:, 0],
    )
    return act_flat.reshape(B, 2), z_logits

# --- scband reference (transcript-rebuilt; emitter-appended) ---
"""Pipeline reference for scband-slagent-24816321036736 (READ-ONLY COPY).

The authoritative reference and input builder live on the scoring server;
editing this copy changes nothing except your own understanding.
"""

import jax, jax.numpy as jnp
import numpy as np

B = 16384
N_MODES = 16
TYPES = 3
D_OBS = 10

def setup_inputs(seed: int = 0):
    key = jax.random.key(seed)
    ks = jax.random.split(key, 12)
    obs = jax.random.normal(ks[0], (B, D_OBS), dtype=jnp.float32)
    type_ids = jax.random.randint(ks[1], (B,), 0, TYPES)
    # column 8 of obs_vec encodes the integer type id, as required by get_z's masking
    obs = obs.at[:, 8].set(type_ids.astype(jnp.float32))
    s = 0.1
    return {
        "obs_vec": obs,
        "W_root": jax.random.normal(ks[2], (D_OBS, 32), dtype=jnp.float32) * s,
        "b_root": jnp.zeros((32,), jnp.float32),
        "Wx1": jax.random.normal(ks[3], (N_MODES, 32, 8), dtype=jnp.float32) * s,
        "bx1": jnp.zeros((N_MODES, 8), jnp.float32),
        "Wx2": jax.random.normal(ks[4], (N_MODES, 8, 2), dtype=jnp.float32) * s,
        "bx2": jnp.zeros((N_MODES, 2), jnp.float32),
        "Wy1": jax.random.normal(ks[5], (N_MODES, 32, 8), dtype=jnp.float32) * s,
        "by1": jnp.zeros((N_MODES, 8), jnp.float32),
        "Wy2": jax.random.normal(ks[6], (N_MODES, 8, 2), dtype=jnp.float32) * s,
        "by2": jnp.zeros((N_MODES, 2), jnp.float32),
        "Wz1": jax.random.normal(ks[7], (TYPES, D_OBS, 32), dtype=jnp.float32) * s,
        "bz1": jnp.zeros((TYPES, 32), jnp.float32),
        "Wz2": jax.random.normal(ks[8], (TYPES, 32, 16), dtype=jnp.float32) * s,
        "bz2": jnp.zeros((TYPES, 16), jnp.float32),
        "Wz3": jax.random.normal(ks[9], (TYPES, 16, N_MODES), dtype=jnp.float32) * s,
        "bz3": jnp.zeros((TYPES, N_MODES), jnp.float32),
    }

def reference(obs_vec, W_root, b_root, Wx1, bx1, Wx2, bx2, Wy1, by1, Wy2, by2, Wz1, bz1, Wz2, bz2, Wz3, bz3):
    # --- get_z: per-type expert MLPs, routed by obs_vec[:, 8] ---
    type_ids = obs_vec[:, 8].astype(jnp.int32)
    h1 = jax.nn.relu(jnp.einsum('bd,tdh->bth', obs_vec, Wz1) + bz1[None])
    h2 = jax.nn.relu(jnp.einsum('bth,the->bte', h1, Wz2) + bz2[None])
    z_all = jnp.einsum('bte,tem->btm', h2, Wz3) + bz3[None]
    z_logits = jnp.take_along_axis(z_all, type_ids[:, None, None], axis=1)[:, 0, :]
    # --- get_action (best=True deterministic path) ---
    best_modes = jnp.argmax(z_logits, axis=1)
    vec_state = jax.nn.relu(obs_vec @ W_root + b_root)
    hx = jax.nn.relu(jnp.einsum('bd,mdh->bmh', vec_state, Wx1) + bx1[None])
    lx = jnp.einsum('bmh,mho->bmo', hx, Wx2) + bx2[None]
    hy = jax.nn.relu(jnp.einsum('bd,mdh->bmh', vec_state, Wy1) + by1[None])
    ly = jnp.einsum('bmh,mho->bmo', hy, Wy2) + by2[None]
    lx_sel = jnp.take_along_axis(lx, best_modes[:, None, None], axis=1)[:, 0, :]
    ly_sel = jnp.take_along_axis(ly, best_modes[:, None, None], axis=1)[:, 0, :]
    # Normal(loc, scale).mode == loc; hstack(logits_x[:, :1], logits_y[:, :1])
    actions = jnp.stack([lx_sel[:, 0], ly_sel[:, 0]], axis=1)
    return actions, z_logits

if __name__ == "__main__":
    import jax
    _d = setup_inputs()
    print(jax.jit(kernel)(*tuple(_d.values())))

</pallas_src>

<mosaic_0001>
#map = affine_map<(d0, d1) -> (0)>
module attributes {stable_mosaic.version = 14 : i64} {
  func.func @_sc_body(%arg0: i32, %arg1: i32, %arg2: memref<2097152xf32, #tpu.memory_space<hbm>>, %arg3: memref<4112xf32, #tpu.memory_space<hbm>>, %arg4: memref<144xf32, #tpu.memory_space<hbm>>, %arg5: memref<144xf32, #tpu.memory_space<hbm>>, %arg6: memref<16xf32, #tpu.memory_space<hbm>>, %arg7: memref<4112xf32, #tpu.memory_space<hbm>>, %arg8: memref<144xf32, #tpu.memory_space<hbm>>, %arg9: memref<144xf32, #tpu.memory_space<hbm>>, %arg10: memref<16xf32, #tpu.memory_space<hbm>>, %arg11: memref<32768xf32, #tpu.memory_space<hbm>>, %arg12: memref<65536xf32, #tpu.memory_space<vmem>>, %arg13: memref<4112xf32, #tpu.memory_space<vmem>>, %arg14: memref<144xf32, #tpu.memory_space<vmem>>, %arg15: memref<144xf32, #tpu.memory_space<vmem>>, %arg16: memref<16xf32, #tpu.memory_space<vmem>>, %arg17: memref<4112xf32, #tpu.memory_space<vmem>>, %arg18: memref<144xf32, #tpu.memory_space<vmem>>, %arg19: memref<144xf32, #tpu.memory_space<vmem>>, %arg20: memref<16xf32, #tpu.memory_space<vmem>>, %arg21: memref<1536xf32, #tpu.memory_space<vmem>>, %arg22: memref<1024xf32, #tpu.memory_space<vmem>>, %arg23: memref<!tpu.dma_semaphore, #tpu.memory_space<semaphore_mem>>) attributes {dimension_semantics = [#tpu.dimension_semantics<core_parallel>, #tpu.dimension_semantics<subcore_parallel>], iteration_bounds = array<i64: 2, 16>, scalar_prefetch = 0 : i64, scratch_operands = 12 : i64, tpu.core_type = #tpu.core_type<sc_vector_subcore>, window_params = [{transform_indices = #map}, {transform_indices = #map}, {transform_indices = #map}, {transform_indices = #map}, {transform_indices = #map}, {transform_indices = #map}, {transform_indices = #map}, {transform_indices = #map}, {transform_indices = #map}, {transform_indices = #map}]} {
    %mul3A = arith.constant 2 : i32
    %mul3A_0 = arith.muli %arg1, %mul3A : i32
    %add3A = arith.addi %mul3A_0, %arg0 : i32
    %mul3A_1 = arith.constant 512 : i32
    %mul3A_2 = arith.muli %add3A, %mul3A_1 : i32
    %mul3A_3 = arith.constant 128 : i32
    %mul3A_4 = arith.muli %mul3A_2, %mul3A_3 : i32
    %dma_start3A = tpu.memref_slice %arg2[%mul3A_4] : memref<2097152xf32, #tpu.memory_space<hbm>> -> memref<65536xf32, #tpu.memory_space<hbm>>
    %dma_start3A_5 = tpu.memref_slice %arg2[%mul3A_4] : memref<2097152xf32, #tpu.memory_space<hbm>> -> memref<65536xf32, #tpu.memory_space<hbm>>
    tpu.enqueue_dma source(%dma_start3A_5 : memref<65536xf32, #tpu.memory_space<hbm>>) target(%arg12 : memref<65536xf32, #tpu.memory_space<vmem>>) target_semaphore(%arg23 : memref<!tpu.dma_semaphore, #tpu.memory_space<semaphore_mem>>)
    tpu.enqueue_dma source(%arg3 : memref<4112xf32, #tpu.memory_space<hbm>>) target(%arg13 : memref<4112xf32, #tpu.memory_space<vmem>>) target_semaphore(%arg23 : memref<!tpu.dma_semaphore, #tpu.memory_space<semaphore_mem>>)
    tpu.enqueue_dma source(%arg4 : memref<144xf32, #tpu.memory_space<hbm>>) target(%arg14 : memref<144xf32, #tpu.memory_space<vmem>>) target_semaphore(%arg23 : memref<!tpu.dma_semaphore, #tpu.memory_space<semaphore_mem>>)
    tpu.enqueue_dma source(%arg5 : memref<144xf32, #tpu.memory_space<hbm>>) target(%arg15 : memref<144xf32, #tpu.memory_space<vmem>>) target_semaphore(%arg23 : memref<!tpu.dma_semaphore, #tpu.memory_space<semaphore_mem>>)
    tpu.enqueue_dma source(%arg6 : memref<16xf32, #tpu.memory_space<hbm>>) target(%arg16 : memref<16xf32, #tpu.memory_space<vmem>>) target_semaphore(%arg23 : memref<!tpu.dma_semaphore, #tpu.memory_space<semaphore_mem>>)
    tpu.enqueue_dma source(%arg7 : memref<4112xf32, #tpu.memory_space<hbm>>) target(%arg17 : memref<4112xf32, #tpu.memory_space<vmem>>) target_semaphore(%arg23 : memref<!tpu.dma_semaphore, #tpu.memory_space<semaphore_mem>>)
    tpu.enqueue_dma source(%arg8 : memref<144xf32, #tpu.memory_space<hbm>>) target(%arg18 : memref<144xf32, #tpu.memory_space<vmem>>) target_semaphore(%arg23 : memref<!tpu.dma_semaphore, #tpu.memory_space<semaphore_mem>>)
    tpu.enqueue_dma source(%arg9 : memref<144xf32, #tpu.memory_space<hbm>>) target(%arg19 : memref<144xf32, #tpu.memory_space<vmem>>) target_semaphore(%arg23 : memref<!tpu.dma_semaphore, #tpu.memory_space<semaphore_mem>>)
    tpu.enqueue_dma source(%arg10 : memref<16xf32, #tpu.memory_space<hbm>>) target(%arg20 : memref<16xf32, #tpu.memory_space<vmem>>) target_semaphore(%arg23 : memref<!tpu.dma_semaphore, #tpu.memory_space<semaphore_mem>>)
    %dma_wait3A = tpu.memref_slice %arg2[%mul3A_4] : memref<2097152xf32, #tpu.memory_space<hbm>> -> memref<65536xf32, #tpu.memory_space<hbm>>
    %dma_wait3A_6 = tpu.memref_slice %arg2[%mul3A_4] : memref<2097152xf32, #tpu.memory_space<hbm>> -> memref<65536xf32, #tpu.memory_space<hbm>>
    tpu.wait_dma2 semaphore(%arg23 : memref<!tpu.dma_semaphore, #tpu.memory_space<semaphore_mem>>) src(%dma_wait3A_6 : memref<65536xf32, #tpu.memory_space<hbm>>) dst(%arg12 : memref<65536xf32, #tpu.memory_space<vmem>>)
    tpu.wait_dma2 semaphore(%arg23 : memref<!tpu.dma_semaphore, #tpu.memory_space<semaphore_mem>>) src(%arg3 : memref<4112xf32, #tpu.memory_space<hbm>>) dst(%arg13 : memref<4112xf32, #tpu.memory_space<vmem>>)
    tpu.wait_dma2 semaphore(%arg23 : memref<!tpu.dma_semaphore, #tpu.memory_space<semaphore_mem>>) src(%arg4 : memref<144xf32, #tpu.memory_space<hbm>>) dst(%arg14 : memref<144xf32, #tpu.memory_space<vmem>>)
    tpu.wait_dma2 semaphore(%arg23 : memref<!tpu.dma_semaphore, #tpu.memory_space<semaphore_mem>>) src(%arg5 : memref<144xf32, #tpu.memory_space<hbm>>) dst(%arg15 : memref<144xf32, #tpu.memory_space<vmem>>)
    tpu.wait_dma2 semaphore(%arg23 : memref<!tpu.dma_semaphore, #tpu.memory_space<semaphore_mem>>) src(%arg6 : memref<16xf32, #tpu.memory_space<hbm>>) dst(%arg16 : memref<16xf32, #tpu.memory_space<vmem>>)
    tpu.wait_dma2 semaphore(%arg23 : memref<!tpu.dma_semaphore, #tpu.memory_space<semaphore_mem>>) src(%arg7 : memref<4112xf32, #tpu.memory_space<hbm>>) dst(%arg17 : memref<4112xf32, #tpu.memory_space<vmem>>)
    tpu.wait_dma2 semaphore(%arg23 : memref<!tpu.dma_semaphore, #tpu.memory_space<semaphore_mem>>) src(%arg8 : memref<144xf32, #tpu.memory_space<hbm>>) dst(%arg18 : memref<144xf32, #tpu.memory_space<vmem>>)
    tpu.wait_dma2 semaphore(%arg23 : memref<!tpu.dma_semaphore, #tpu.memory_space<semaphore_mem>>) src(%arg9 : memref<144xf32, #tpu.memory_space<hbm>>) dst(%arg19 : memref<144xf32, #tpu.memory_space<vmem>>)
    tpu.wait_dma2 semaphore(%arg23 : memref<!tpu.dma_semaphore, #tpu.memory_space<semaphore_mem>>) src(%arg10 : memref<16xf32, #tpu.memory_space<hbm>>) dst(%arg20 : memref<16xf32, #tpu.memory_space<vmem>>)
    %iota3A = tpu.iota {dimensions = array<i32: 0>} : vector<16xi32>
    %broadcast_in_dim3A = arith.constant 0xFF800000 : f32
    %broadcast_in_dim3A_7 = vector.broadcast %broadcast_in_dim3A : f32 to vector<16xf32>
    %scan3A = arith.constant 0 : i32
    %scan3A_8 = arith.constant 0 : i32
    %scan3A_9 = arith.constant 32 : i32
    %scan3A_10 = arith.addi %scan3A_8, %scan3A_9 : i32
    %scan3A_11 = arith.constant 1 : i32
    scf.for %scan3A_68 = %scan3A_8 to %scan3A_10 step %scan3A_11  : i32 {
      %mul3A_69 = arith.constant 16 : i32
      %mul3A_70 = arith.muli %scan3A_68, %mul3A_69 : i32
      %add3A_71 = vector.broadcast %mul3A_70 : i32 to vector<16xi32>
      %add3A_72 = arith.addi %iota3A, %add3A_71 : vector<16xi32>
      %mul3A_73 = arith.constant 128 : i32
      %mul3A_74 = vector.broadcast %mul3A_73 : i32 to vector<16xi32>
      %mul3A_75 = arith.muli %add3A_72, %mul3A_74 : vector<16xi32>
      %broadcast_in_dim3A_76 = arith.constant 0 : i32
      %broadcast_in_dim3A_77 = vector.broadcast %broadcast_in_dim3A_76 : i32 to vector<16xi32>
      %add3A_78 = arith.constant 0 : i32
      %add3A_79 = vector.broadcast %add3A_78 : i32 to vector<16xi32>
      %add3A_80 = arith.addi %mul3A_75, %add3A_79 : vector<16xi32>
      %gather3A = tpu.vector_load_idx %arg12[%add3A_80] : memref<65536xf32, #tpu.memory_space<vmem>>[vector<16xi32>], vector<16xf32>,
      %gt3A = arith.cmpf ogt, %gather3A, %broadcast_in_dim3A_7 : vector<16xf32>
      %select_n3A_81 = arith.select %gt3A, %gather3A, %broadcast_in_dim3A_7 : vector<16xi1>, vector<16xf32>
      %jit3A_82 = arith.constant 0 : i32
      %broadcast_in_dim3A_83 = vector.broadcast %jit3A_82 : i32 to vector<16xi32>
      %select_n3A_84 = arith.select %gt3A, %broadcast_in_dim3A_83, %broadcast_in_dim3A_77 : vector<16xi1>, vector<16xi32>
      %add3A_85 = arith.constant 1 : i32
      %add3A_86 = vector.broadcast %add3A_85 : i32 to vector<16xi32>
      %add3A_87 = arith.addi %mul3A_75, %add3A_86 : vector<16xi32>
      %gather3A_88 = tpu.vector_load_idx %arg12[%add3A_87] : memref<65536xf32, #tpu.memory_space<vmem>>[vector<16xi32>], vector<16xf32>,
      %gt3A_89 = arith.cmpf ogt, %gather3A_88, %select_n3A_81 : vector<16xf32>
      %select_n3A_90 = arith.select %gt3A_89, %gather3A_88, %select_n3A_81 : vector<16xi1>, vector<16xf32>
      %jit3A_91 = arith.constant 1 : i32
      %broadcast_in_dim3A_92 = vector.broadcast %jit3A_91 : i32 to vector<16xi32>
      %select_n3A_93 = arith.select %gt3A_89, %broadcast_in_dim3A_92, %select_n3A_84 : vector<16xi1>, vector<16xi32>
      %add3A_94 = arith.constant 2 : i32
      %add3A_95 = vector.broadcast %add3A_94 : i32 to vector<16xi32>
      %add3A_96 = arith.addi %mul3A_75, %add3A_95 : vector<16xi32>
      %gather3A_97 = tpu.vector_load_idx %arg12[%add3A_96] : memref<65536xf32, #tpu.memory_space<vmem>>[vector<16xi32>], vector<16xf32>,
      %gt3A_98 = arith.cmpf ogt, %gather3A_97, %select_n3A_90 : vector<16xf32>
      %select_n3A_99 = arith.select %gt3A_98, %gather3A_97, %select_n3A_90 : vector<16xi1>, vector<16xf32>
      %jit3A_100 = arith.constant 2 : i32
      %broadcast_in_dim3A_101 = vector.broadcast %jit3A_100 : i32 to vector<16xi32>
      %select_n3A_102 = arith.select %gt3A_98, %broadcast_in_dim3A_101, %select_n3A_93 : vector<16xi1>, vector<16xi32>
      %add3A_103 = arith.constant 3 : i32
      %add3A_104 = vector.broadcast %add3A_103 : i32 to vector<16xi32>
      %add3A_105 = arith.addi %mul3A_75, %add3A_104 : vector<16xi32>
      %gather3A_106 = tpu.vector_load_idx %arg12[%add3A_105] : memref<65536xf32, #tpu.memory_space<vmem>>[vector<16xi32>], vector<16xf32>,
      %gt3A_107 = arith.cmpf ogt, %gather3A_106, %select_n3A_99 : vector<16xf32>
      %select_n3A_108 = arith.select %gt3A_107, %gather3A_106, %select_n3A_99 : vector<16xi1>, vector<16xf32>
      %jit3A_109 = arith.constant 3 : i32
      %broadcast_in_dim3A_110 = vector.broadcast %jit3A_109 : i32 to vector<16xi32>
      %select_n3A_111 = arith.select %gt3A_107, %broadcast_in_dim3A_110, %select_n3A_102 : vector<16xi1>, vector<16xi32>
      %add3A_112 = arith.constant 4 : i32
      %add3A_113 = vector.broadcast %add3A_112 : i32 to vector<16xi32>
      %add3A_114 = arith.addi %mul3A_75, %add3A_113 : vector<16xi32>
      %gather3A_115 = tpu.vector_load_idx %arg12[%add3A_114] : memref<65536xf32, #tpu.memory_space<vmem>>[vector<16xi32>], vector<16xf32>,
      %gt3A_116 = arith.cmpf ogt, %gather3A_115, %select_n3A_108 : vector<16xf32>
      %select_n3A_117 = arith.select %gt3A_116, %gather3A_115, %select_n3A_108 : vector<16xi1>, vector<16xf32>
      %jit3A_118 = arith.constant 4 : i32
      %broadcast_in_dim3A_119 = vector.broadcast %jit3A_118 : i32 to vector<16xi32>
      %select_n3A_120 = arith.select %gt3A_116, %broadcast_in_dim3A_119, %select_n3A_111 : vector<16xi1>, vector<16xi32>
      %add3A_121 = arith.constant 5 : i32
      %add3A_122 = vector.broadcast %add3A_121 : i32 to vector<16xi32>
      %add3A_123 = arith.addi %mul3A_75, %add3A_122 : vector<16xi32>
      %gather3A_124 = tpu.vector_load_idx %arg12[%add3A_123] : memref<65536xf32, #tpu.memory_space<vmem>>[vector<16xi32>], vector<16xf32>,
      %gt3A_125 = arith.cmpf ogt, %gather3A_124, %select_n3A_117 : vector<16xf32>
      %select_n3A_126 = arith.select %gt3A_125, %gather3A_124, %select_n3A_117 : vector<16xi1>, vector<16xf32>
      %jit3A_127 = arith.constant 5 : i32
      %broadcast_in_dim3A_128 = vector.broadcast %jit3A_127 : i32 to vector<16xi32>
      %select_n3A_129 = arith.select %gt3A_125, %broadcast_in_dim3A_128, %select_n3A_120 : vector<16xi1>, vector<16xi32>
      %add3A_130 = arith.constant 6 : i32
      %add3A_131 = vector.broadcast %add3A_130 : i32 to vector<16xi32>
      %add3A_132 = arith.addi %mul3A_75, %add3A_131 : vector<16xi32>
      %gather3A_133 = tpu.vector_load_idx %arg12[%add3A_132] : memref<65536xf32, #tpu.memory_space<vmem>>[vector<16xi32>], vector<16xf32>,
      %gt3A_134 = arith.cmpf ogt, %gather3A_133, %select_n3A_126 : vector<16xf32>
      %select_n3A_135 = arith.select %gt3A_134, %gather3A_133, %select_n3A_126 : vector<16xi1>, vector<16xf32>
      %jit3A_136 = arith.constant 6 : i32
      %broadcast_in_dim3A_137 = vector.broadcast %jit3A_136 : i32 to vector<16xi32>
      %select_n3A_138 = arith.select %gt3A_134, %broadcast_in_dim3A_137, %select_n3A_129 : vector<16xi1>, vector<16xi32>
      %add3A_139 = arith.constant 7 : i32
      %add3A_140 = vector.broadcast %add3A_139 : i32 to vector<16xi32>
      %add3A_141 = arith.addi %mul3A_75, %add3A_140 : vector<16xi32>
      %gather3A_142 = tpu.vector_load_idx %arg12[%add3A_141] : memref<65536xf32, #tpu.memory_space<vmem>>[vector<16xi32>], vector<16xf32>,
      %gt3A_143 = arith.cmpf ogt, %gather3A_142, %select_n3A_135 : vector<16xf32>
      %select_n3A_144 = arith.select %gt3A_143, %gather3A_142, %select_n3A_135 : vector<16xi1>, vector<16xf32>
      %jit3A_145 = arith.constant 7 : i32
      %broadcast_in_dim3A_146 = vector.broadcast %jit3A_145 : i32 to vector<16xi32>
      %select_n3A_147 = arith.select %gt3A_143, %broadcast_in_dim3A_146, %select_n3A_138 : vector<16xi1>, vector<16xi32>
      %add3A_148 = arith.constant 8 : i32
      %add3A_149 = vector.broadcast %add3A_148 : i32 to vector<16xi32>
      %add3A_150 = arith.addi %mul3A_75, %add3A_149 : vector<16xi32>
      %gather3A_151 = tpu.vector_load_idx %arg12[%add3A_150] : memref<65536xf32, #tpu.memory_space<vmem>>[vector<16xi32>], vector<16xf32>,
      %gt3A_152 = arith.cmpf ogt, %gather3A_151, %select_n3A_144 : vector<16xf32>
      %select_n3A_153 = arith.select %gt3A_152, %gather3A_151, %select_n3A_144 : vector<16xi1>, vector<16xf32>
      %jit3A_154 = arith.constant 8 : i32
      %broadcast_in_dim3A_155 = vector.broadcast %jit3A_154 : i32 to vector<16xi32>
      %select_n3A_156 = arith.select %gt3A_152, %broadcast_in_dim3A_155, %select_n3A_147 : vector<16xi1>, vector<16xi32>
      %add3A_157 = arith.constant 9 : i32
      %add3A_158 = vector.broadcast %add3A_157 : i32 to vector<16xi32>
      %add3A_159 = arith.addi %mul3A_75, %add3A_158 : vector<16xi32>
      %gather3A_160 = tpu.vector_load_idx %arg12[%add3A_159] : memref<65536xf32, #tpu.memory_space<vmem>>[vector<16xi32>], vector<16xf32>,
      %gt3A_161 = arith.cmpf ogt, %gather3A_160, %select_n3A_153 : vector<16xf32>
      %select_n3A_162 = arith.select %gt3A_161, %gather3A_160, %select_n3A_153 : vector<16xi1>, vector<16xf32>
      %jit3A_163 = arith.constant 9 : i32
      %broadcast_in_dim3A_164 = vector.broadcast %jit3A_163 : i32 to vector<16xi32>
      %select_n3A_165 = arith.select %gt3A_161, %broadcast_in_dim3A_164, %select_n3A_156 : vector<16xi1>, vector<16xi32>
      %add3A_166 = arith.constant 10 : i32
      %add3A_167 = vector.broadcast %add3A_166 : i32 to vector<16xi32>
      %add3A_168 = arith.addi %mul3A_75, %add3A_167 : vector<16xi32>
      %gather3A_169 = tpu.vector_load_idx %arg12[%add3A_168] : memref<65536xf32, #tpu.memory_space<vmem>>[vector<16xi32>], vector<16xf32>,
      %gt3A_170 = arith.cmpf ogt, %gather3A_169, %select_n3A_162 : vector<16xf32>
      %select_n3A_171 = arith.select %gt3A_170, %gather3A_169, %select_n3A_162 : vector<16xi1>, vector<16xf32>
      %jit3A_172 = arith.constant 10 : i32
      %broadcast_in_dim3A_173 = vector.broadcast %jit3A_172 : i32 to vector<16xi32>
      %select_n3A_174 = arith.select %gt3A_170, %broadcast_in_dim3A_173, %select_n3A_165 : vector<16xi1>, vector<16xi32>
      %add3A_175 = arith.constant 11 : i32
      %add3A_176 = vector.broadcast %add3A_175 : i32 to vector<16xi32>
      %add3A_177 = arith.addi %mul3A_75, %add3A_176 : vector<16xi32>
      %gather3A_178 = tpu.vector_load_idx %arg12[%add3A_177] : memref<65536xf32, #tpu.memory_space<vmem>>[vector<16xi32>], vector<16xf32>,
      %gt3A_179 = arith.cmpf ogt, %gather3A_178, %select_n3A_171 : vector<16xf32>
      %select_n3A_180 = arith.select %gt3A_179, %gather3A_178, %select_n3A_171 : vector<16xi1>, vector<16xf32>
      %jit3A_181 = arith.constant 11 : i32
      %broadcast_in_dim3A_182 = vector.broadcast %jit3A_181 : i32 to vector<16xi32>
      %select_n3A_183 = arith.select %gt3A_179, %broadcast_in_dim3A_182, %select_n3A_174 : vector<16xi1>, vector<16xi32>
      %add3A_184 = arith.constant 12 : i32
      %add3A_185 = vector.broadcast %add3A_184 : i32 to vector<16xi32>
      %add3A_186 = arith.addi %mul3A_75, %add3A_185 : vector<16xi32>
      %gather3A_187 = tpu.vector_load_idx %arg12[%add3A_186] : memref<65536xf32, #tpu.memory_space<vmem>>[vector<16xi32>], vector<16xf32>,
      %gt3A_188 = arith.cmpf ogt, %gather3A_187, %select_n3A_180 : vector<16xf32>
      %select_n3A_189 = arith.select %gt3A_188, %gather3A_187, %select_n3A_180 : vector<16xi1>, vector<16xf32>
      %jit3A_190 = arith.constant 12 : i32
      %broadcast_in_dim3A_191 = vector.broadcast %jit3A_190 : i32 to vector<16xi32>
      %select_n3A_192 = arith.select %gt3A_188, %broadcast_in_dim3A_191, %select_n3A_183 : vector<16xi1>, vector<16xi32>
      %add3A_193 = arith.constant 13 : i32
      %add3A_194 = vector.broadcast %add3A_193 : i32 to vector<16xi32>
      %add3A_195 = arith.addi %mul3A_75, %add3A_194 : vector<16xi32>
      %gather3A_196 = tpu.vector_load_idx %arg12[%add3A_195] : memref<65536xf32, #tpu.memory_space<vmem>>[vector<16xi32>], vector<16xf32>,
      %gt3A_197 = arith.cmpf ogt, %gather3A_196, %select_n3A_189 : vector<16xf32>
      %select_n3A_198 = arith.select %gt3A_197, %gather3A_196, %select_n3A_189 : vector<16xi1>, vector<16xf32>
      %jit3A_199 = arith.constant 13 : i32
      %broadcast_in_dim3A_200 = vector.broadcast %jit3A_199 : i32 to vector<16xi32>
      %select_n3A_201 = arith.select %gt3A_197, %broadcast_in_dim3A_200, %select_n3A_192 : vector<16xi1>, vector<16xi32>
      %add3A_202 = arith.constant 14 : i32
      %add3A_203 = vector.broadcast %add3A_202 : i32 to vector<16xi32>
      %add3A_204 = arith.addi %mul3A_75, %add3A_203 : vector<16xi32>
      %gather3A_205 = tpu.vector_load_idx %arg12[%add3A_204] : memref<65536xf32, #tpu.memory_space<vmem>>[vector<16xi32>], vector<16xf32>,
      %gt3A_206 = arith.cmpf ogt, %gather3A_205, %select_n3A_198 : vector<16xf32>
      %select_n3A_207 = arith.select %gt3A_206, %gather3A_205, %select_n3A_198 : vector<16xi1>, vector<16xf32>
      %jit3A_208 = arith.constant 14 : i32
      %broadcast_in_dim3A_209 = vector.broadcast %jit3A_208 : i32 to vector<16xi32>
      %select_n3A_210 = arith.select %gt3A_206, %broadcast_in_dim3A_209, %select_n3A_201 : vector<16xi1>, vector<16xi32>
      %add3A_211 = arith.constant 15 : i32
      %add3A_212 = vector.broadcast %add3A_211 : i32 to vector<16xi32>
      %add3A_213 = arith.addi %mul3A_75, %add3A_212 : vector<16xi32>
      %gather3A_214 = tpu.vector_load_idx %arg12[%add3A_213] : memref<65536xf32, #tpu.memory_space<vmem>>[vector<16xi32>], vector<16xf32>,
      %gt3A_215 = arith.cmpf ogt, %gather3A_214, %select_n3A_207 : vector<16xf32>
      %select_n3A_216 = arith.select %gt3A_215, %gather3A_214, %select_n3A_207 : vector<16xi1>, vector<16xf32>
      %jit3A_217 = arith.constant 15 : i32
      %broadcast_in_dim3A_218 = vector.broadcast %jit3A_217 : i32 to vector<16xi32>
      %select_n3A_219 = arith.select %gt3A_215, %broadcast_in_dim3A_218, %select_n3A_210 : vector<16xi1>, vector<16xi32>
      %mul3A_220 = arith.constant 257 : i32
      %mul3A_221 = vector.broadcast %mul3A_220 : i32 to vector<16xi32>
      %mul3A_222 = arith.muli %select_n3A_219, %mul3A_221 : vector<16xi32>
      %mul3A_223 = arith.constant 9 : i32
      %mul3A_224 = vector.broadcast %mul3A_223 : i32 to vector<16xi32>
      %mul3A_225 = arith.muli %select_n3A_219, %mul3A_224 : vector<16xi32>
      %add3A_226 = arith.constant 0 : i32
      %add3A_227 = vector.broadcast %add3A_226 : i32 to vector<16xi32>
      %add3A_228 = arith.addi %mul3A_225, %add3A_227 : vector<16xi32>
      %gather3A_229 = tpu.vector_load_idx %arg14[%add3A_228] : memref<144xf32, #tpu.memory_space<vmem>>[vector<16xi32>], vector<16xf32>,
      %add3A_230 = arith.constant 1 : i32
      %add3A_231 = vector.broadcast %add3A_230 : i32 to vector<16xi32>
      %add3A_232 = arith.addi %mul3A_225, %add3A_231 : vector<16xi32>
      %gather3A_233 = tpu.vector_load_idx %arg14[%add3A_232] : memref<144xf32, #tpu.memory_space<vmem>>[vector<16xi32>], vector<16xf32>,
      %add3A_234 = arith.constant 2 : i32
      %add3A_235 = vector.broadcast %add3A_234 : i32 to vector<16xi32>
      %add3A_236 = arith.addi %mul3A_225, %add3A_235 : vector<16xi32>
      %gather3A_237 = tpu.vector_load_idx %arg14[%add3A_236] : memref<144xf32, #tpu.memory_space<vmem>>[vector<16xi32>], vector<16xf32>,
      %add3A_238 = arith.constant 3 : i32
      %add3A_239 = vector.broadcast %add3A_238 : i32 to vector<16xi32>
      %add3A_240 = arith.addi %mul3A_225, %add3A_239 : vector<16xi32>
      %gather3A_241 = tpu.vector_load_idx %arg14[%add3A_240] : memref<144xf32, #tpu.memory_space<vmem>>[vector<16xi32>], vector<16xf32>,
      %add3A_242 = arith.constant 4 : i32
      %add3A_243 = vector.broadcast %add3A_242 : i32 to vector<16xi32>
      %add3A_244 = arith.addi %mul3A_225, %add3A_243 : vector<16xi32>
      %gather3A_245 = tpu.vector_load_idx %arg14[%add3A_244] : memref<144xf32, #tpu.memory_space<vmem>>[vector<16xi32>], vector<16xf32>,
      %add3A_246 = arith.constant 5 : i32
      %add3A_247 = vector.broadcast %add3A_246 : i32 to vector<16xi32>
      %add3A_248 = arith.addi %mul3A_225, %add3A_247 : vector<16xi32>
      %gather3A_249 = tpu.vector_load_idx %arg14[%add3A_248] : memref<144xf32, #tpu.memory_space<vmem>>[vector<16xi32>], vector<16xf32>,
      %add3A_250 = arith.constant 6 : i32
      %add3A_251 = vector.broadcast %add3A_250 : i32 to vector<16xi32>
      %add3A_252 = arith.addi %mul3A_225, %add3A_251 : vector<16xi32>
      %gather3A_253 = tpu.vector_load_idx %arg14[%add3A_252] : memref<144xf32, #tpu.memory_space<vmem>>[vector<16xi32>], vector<16xf32>,
      %add3A_254 = arith.constant 7 : i32
      %add3A_255 = vector.broadcast %add3A_254 : i32 to vector<16xi32>
      %add3A_256 = arith.addi %mul3A_225, %add3A_255 : vector<16xi32>
      %gather3A_257 = tpu.vector_load_idx %arg14[%add3A_256] : memref<144xf32, #tpu.memory_space<vmem>>[vector<16xi32>], vector<16xf32>,
      %add3A_258 = arith.constant 0 : i32
      %add3A_259 = vector.broadcast %add3A_258 : i32 to vector<16xi32>
      %add3A_260 = arith.addi %mul3A_225, %add3A_259 : vector<16xi32>
      %gather3A_261 = tpu.vector_load_idx %arg18[%add3A_260] : memref<144xf32, #tpu.memory_space<vmem>>[vector<16xi32>], vector<16xf32>,
      %add3A_262 = arith.constant 1 : i32
      %add3A_263 = vector.broadcast %add3A_262 : i32 to vector<16xi32>
      %add3A_264 = arith.addi %mul3A_225, %add3A_263 : vector<16xi32>
      %gather3A_265 = tpu.vector_load_idx %arg18[%add3A_264] : memref<144xf32, #tpu.memory_space<vmem>>[vector<16xi32>], vector<16xf32>,
      %add3A_266 = arith.constant 2 : i32
      %add3A_267 = vector.broadcast %add3A_266 : i32 to vector<16xi32>
      %add3A_268 = arith.addi %mul3A_225, %add3A_267 : vector<16xi32>
      %gather3A_269 = tpu.vector_load_idx %arg18[%add3A_268] : memref<144xf32, #tpu.memory_space<vmem>>[vector<16xi32>], vector<16xf32>,
      %add3A_270 = arith.constant 3 : i32
      %add3A_271 = vector.broadcast %add3A_270 : i32 to vector<16xi32>
      %add3A_272 = arith.addi %mul3A_225, %add3A_271 : vector<16xi32>
      %gather3A_273 = tpu.vector_load_idx %arg18[%add3A_272] : memref<144xf32, #tpu.memory_space<vmem>>[vector<16xi32>], vector<16xf32>,
      %add3A_274 = arith.constant 4 : i32
      %add3A_275 = vector.broadcast %add3A_274 : i32 to vector<16xi32>
      %add3A_276 = arith.addi %mul3A_225, %add3A_275 : vector<16xi32>
      %gather3A_277 = tpu.vector_load_idx %arg18[%add3A_276] : memref<144xf32, #tpu.memory_space<vmem>>[vector<16xi32>], vector<16xf32>,
      %add3A_278 = arith.constant 5 : i32
      %add3A_279 = vector.broadcast %add3A_278 : i32 to vector<16xi32>
      %add3A_280 = arith.addi %mul3A_225, %add3A_279 : vector<16xi32>
      %gather3A_281 = tpu.vector_load_idx %arg18[%add3A_280] : memref<144xf32, #tpu.memory_space<vmem>>[vector<16xi32>], vector<16xf32>,
      %add3A_282 = arith.constant 6 : i32
      %add3A_283 = vector.broadcast %add3A_282 : i32 to vector<16xi32>
      %add3A_284 = arith.addi %mul3A_225, %add3A_283 : vector<16xi32>
      %gather3A_285 = tpu.vector_load_idx %arg18[%add3A_284] : memref<144xf32, #tpu.memory_space<vmem>>[vector<16xi32>], vector<16xf32>,
      %add3A_286 = arith.constant 7 : i32
      %add3A_287 = vector.broadcast %add3A_286 : i32 to vector<16xi32>
      %add3A_288 = arith.addi %mul3A_225, %add3A_287 : vector<16xi32>
      %gather3A_289 = tpu.vector_load_idx %arg18[%add3A_288] : memref<144xf32, #tpu.memory_space<vmem>>[vector<16xi32>], vector<16xf32>,
      %add3A_290 = arith.constant 16 : i32
      %add3A_291 = vector.broadcast %add3A_290 : i32 to vector<16xi32>
      %add3A_292 = arith.addi %mul3A_75, %add3A_291 : vector<16xi32>
      %scan3A_293 = arith.constant 0 : i32
      %scan3A_294 = arith.constant 8 : i32
      %scan3A_295 = arith.addi %scan3A_293, %scan3A_294 : i32
      %scan3A_296 = arith.constant 1 : i32
      %scan3A_297:16 = scf.for %scan3A_450 = %scan3A_293 to %scan3A_295 step %scan3A_296 iter_args(%scan3A_451 = %gather3A_229, %scan3A_452 = %gather3A_233, %scan3A_453 = %gather3A_237, %scan3A_454 = %gather3A_241, %scan3A_455 = %gather3A_245, %scan3A_456 = %gather3A_249, %scan3A_457 = %gather3A_253, %scan3A_458 = %gather3A_257, %scan3A_459 = %gather3A_261, %scan3A_460 = %gather3A_265, %scan3A_461 = %gather3A_269, %scan3A_462 = %gather3A_273, %scan3A_463 = %gather3A_277, %scan3A_464 = %gather3A_281, %scan3A_465 = %gather3A_285, %scan3A_466 = %gather3A_289) -> (vector<16xf32>, vector<16xf32>, vector<16xf32>, vector<16xf32>, vector<16xf32>, vector<16xf32>, vector<16xf32>, vector<16xf32>, vector<16xf32>, vector<16xf32>, vector<16xf32>, vector<16xf32>, vector<16xf32>, vector<16xf32>, vector<16xf32>, vector<16xf32>)  : i32 {
        %mul3A_467 = arith.constant 4 : i32
        %mul3A_468 = arith.muli %scan3A_450, %mul3A_467 : i32
        %add3A_469 = arith.constant 0 : i32
        %add3A_470 = arith.addi %mul3A_468, %add3A_469 : i32
        %add3A_471 = vector.broadcast %add3A_470 : i32 to vector<16xi32>
        %add3A_472 = arith.addi %add3A_292, %add3A_471 : vector<16xi32>
        %gather3A_473 = tpu.vector_load_idx %arg12[%add3A_472] : memref<65536xf32, #tpu.memory_space<vmem>>[vector<16xi32>], vector<16xf32>,
        %mul3A_474 = arith.constant 8 : i32
        %mul3A_475 = arith.muli %add3A_470, %mul3A_474 : i32
        %add3A_476 = vector.broadcast %mul3A_475 : i32 to vector<16xi32>
        %add3A_477 = arith.addi %mul3A_222, %add3A_476 : vector<16xi32>
        %add3A_478 = arith.constant 0 : i32
        %add3A_479 = vector.broadcast %add3A_478 : i32 to vector<16xi32>
        %add3A_480 = arith.addi %add3A_477, %add3A_479 : vector<16xi32>
        %gather3A_481 = tpu.vector_load_idx %arg13[%add3A_480] : memref<4112xf32, #tpu.memory_space<vmem>>[vector<16xi32>], vector<16xf32>,
        %mul3A_482 = arith.mulf %gather3A_473, %gather3A_481 : vector<16xf32>
        %add3A_483 = arith.addf %scan3A_451, %mul3A_482 : vector<16xf32>
        %add3A_484 = arith.constant 1 : i32
        %add3A_485 = vector.broadcast %add3A_484 : i32 to vector<16xi32>
        %add3A_486 = arith.addi %add3A_477, %add3A_485 : vector<16xi32>
        %gather3A_487 = tpu.vector_load_idx %arg13[%add3A_486] : memref<4112xf32, #tpu.memory_space<vmem>>[vector<16xi32>], vector<16xf32>,
        %mul3A_488 = arith.mulf %gather3A_473, %gather3A_487 : vector<16xf32>
        %add3A_489 = arith.addf %scan3A_452, %mul3A_488 : vector<16xf32>
        %add3A_490 = arith.constant 2 : i32
        %add3A_491 = vector.broadcast %add3A_490 : i32 to vector<16xi32>
        %add3A_492 = arith.addi %add3A_477, %add3A_491 : vector<16xi32>
        %gather3A_493 = tpu.vector_load_idx %arg13[%add3A_492] : memref<4112xf32, #tpu.memory_space<vmem>>[vector<16xi32>], vector<16xf32>,
        %mul3A_494 = arith.mulf %gather3A_473, %gather3A_493 : vector<16xf32>
        %add3A_495 = arith.addf %scan3A_453, %mul3A_494 : vector<16xf32>
        %add3A_496 = arith.constant 3 : i32
        %add3A_497 = vector.broadcast %add3A_496 : i32 to vector<16xi32>
        %add3A_498 = arith.addi %add3A_477, %add3A_497 : vector<16xi32>
        %gather3A_499 = tpu.vector_load_idx %arg13[%add3A_498] : memref<4112xf32, #tpu.memory_space<vmem>>[vector<16xi32>], vector<16xf32>,
        %mul3A_500 = arith.mulf %gather3A_473, %gather3A_499 : vector<16xf32>
        %add3A_501 = arith.addf %scan3A_454, %mul3A_500 : vector<16xf32>
        %add3A_502 = arith.constant 4 : i32
        %add3A_503 = vector.broadcast %add3A_502 : i32 to vector<16xi32>
        %add3A_504 = arith.addi %add3A_477, %add3A_503 : vector<16xi32>
        %gather3A_505 = tpu.vector_load_idx %arg13[%add3A_504] : memref<4112xf32, #tpu.memory_space<vmem>>[vector<16xi32>], vector<16xf32>,
        %mul3A_506 = arith.mulf %gather3A_473, %gather3A_505 : vector<16xf32>
        %add3A_507 = arith.addf %scan3A_455, %mul3A_506 : vector<16xf32>
        %add3A_508 = arith.constant 5 : i32
        %add3A_509 = vector.broadcast %add3A_508 : i32 to vector<16xi32>
        %add3A_510 = arith.addi %add3A_477, %add3A_509 : vector<16xi32>
        %gather3A_511 = tpu.vector_load_idx %arg13[%add3A_510] : memref<4112xf32, #tpu.memory_space<vmem>>[vector<16xi32>], vector<16xf32>,
        %mul3A_512 = arith.mulf %gather3A_473, %gather3A_511 : vector<16xf32>
        %add3A_513 = arith.addf %scan3A_456, %mul3A_512 : vector<16xf32>
        %add3A_514 = arith.constant 6 : i32
        %add3A_515 = vector.broadcast %add3A_514 : i32 to vector<16xi32>
        %add3A_516 = arith.addi %add3A_477, %add3A_515 : vector<16xi32>
        %gather3A_517 = tpu.vector_load_idx %arg13[%add3A_516] : memref<4112xf32, #tpu.memory_space<vmem>>[vector<16xi32>], vector<16xf32>,
        %mul3A_518 = arith.mulf %gather3A_473, %gather3A_517 : vector<16xf32>
        %add3A_519 = arith.addf %scan3A_457, %mul3A_518 : vector<16xf32>
        %add3A_520 = arith.constant 7 : i32
        %add3A_521 = vector.broadcast %add3A_520 : i32 to vector<16xi32>
        %add3A_522 = arith.addi %add3A_477, %add3A_521 : vector<16xi32>
        %gather3A_523 = tpu.vector_load_idx %arg13[%add3A_522] : memref<4112xf32, #tpu.memory_space<vmem>>[vector<16xi32>], vector<16xf32>,
        %mul3A_524 = arith.mulf %gather3A_473, %gather3A_523 : vector<16xf32>
        %add3A_525 = arith.addf %scan3A_458, %mul3A_524 : vector<16xf32>
        %add3A_526 = arith.constant 0 : i32
        %add3A_527 = vector.broadcast %add3A_526 : i32 to vector<16xi32>
        %add3A_528 = arith.addi %add3A_477, %add3A_527 : vector<16xi32>
        %gather3A_529 = tpu.vector_load_idx %arg17[%add3A_528] : memref<4112xf32, #tpu.memory_space<vmem>>[vector<16xi32>], vector<16xf32>,
        %mul3A_530 = arith.mulf %gather3A_473, %gather3A_529 : vector<16xf32>
        %add3A_531 = arith.addf %scan3A_459, %mul3A_530 : vector<16xf32>
        %add3A_532 = arith.constant 1 : i32
        %add3A_533 = vector.broadcast %add3A_532 : i32 to vector<16xi32>
        %add3A_534 = arith.addi %add3A_477, %add3A_533 : vector<16xi32>
        %gather3A_535 = tpu.vector_load_idx %arg17[%add3A_534] : memref<4112xf32, #tpu.memory_space<vmem>>[vector<16xi32>], vector<16xf32>,
        %mul3A_536 = arith.mulf %gather3A_473, %gather3A_535 : vector<16xf32>
        %add3A_537 = arith.addf %scan3A_460, %mul3A_536 : vector<16xf32>
        %add3A_538 = arith.constant 2 : i32
        %add3A_539 = vector.broadcast %add3A_538 : i32 to vector<16xi32>
        %add3A_540 = arith.addi %add3A_477, %add3A_539 : vector<16xi32>
        %gather3A_541 = tpu.vector_load_idx %arg17[%add3A_540] : memref<4112xf32, #tpu.memory_space<vmem>>[vector<16xi32>], vector<16xf32>,
        %mul3A_542 = arith.mulf %gather3A_473, %gather3A_541 : vector<16xf32>
        %add3A_543 = arith.addf %scan3A_461, %mul3A_542 : vector<16xf32>
        %add3A_544 = arith.constant 3 : i32
        %add3A_545 = vector.broadcast %add3A_544 : i32 to vector<16xi32>
        %add3A_546 = arith.addi %add3A_477, %add3A_545 : vector<16xi32>
        %gather3A_547 = tpu.vector_load_idx %arg17[%add3A_546] : memref<4112xf32, #tpu.memory_space<vmem>>[vector<16xi32>], vector<16xf32>,
        %mul3A_548 = arith.mulf %gather3A_473, %gather3A_547 : vector<16xf32>
        %add3A_549 = arith.addf %scan3A_462, %mul3A_548 : vector<16xf32>
        %add3A_550 = arith.constant 4 : i32
        %add3A_551 = vector.broadcast %add3A_550 : i32 to vector<16xi32>
        %add3A_552 = arith.addi %add3A_477, %add3A_551 : vector<16xi32>
        %gather3A_553 = tpu.vector_load_idx %arg17[%add3A_552] : memref<4112xf32, #tpu.memory_space<vmem>>[vector<16xi32>], vector<16xf32>,
        %mul3A_554 = arith.mulf %gather3A_473, %gather3A_553 : vector<16xf32>
        %add3A_555 = arith.addf %scan3A_463, %mul3A_554 : vector<16xf32>
        %add3A_556 = arith.constant 5 : i32
        %add3A_557 = vector.broadcast %add3A_556 : i32 to vector<16xi32>
        %add3A_558 = arith.addi %add3A_477, %add3A_557 : vector<16xi32>
        %gather3A_559 = tpu.vector_load_idx %arg17[%add3A_558] : memref<4112xf32, #tpu.memory_space<vmem>>[vector<16xi32>], vector<16xf32>,
        %mul3A_560 = arith.mulf %gather3A_473, %gather3A_559 : vector<16xf32>
        %add3A_561 = arith.addf %scan3A_464, %mul3A_560 : vector<16xf32>
        %add3A_562 = arith.constant 6 : i32
        %add3A_563 = vector.broadcast %add3A_562 : i32 to vector<16xi32>
        %add3A_564 = arith.addi %add3A_477, %add3A_563 : vector<16xi32>
        %gather3A_565 = tpu.vector_load_idx %arg17[%add3A_564] : memref<4112xf32, #tpu.memory_space<vmem>>[vector<16xi32>], vector<16xf32>,
        %mul3A_566 = arith.mulf %gather3A_473, %gather3A_565 : vector<16xf32>
        %add3A_567 = arith.addf %scan3A_465, %mul3A_566 : vector<16xf32>
        %add3A_568 = arith.constant 7 : i32
        %add3A_569 = vector.broadcast %add3A_568 : i32 to vector<16xi32>
        %add3A_570 = arith.addi %add3A_477, %add3A_569 : vector<16xi32>
        %gather3A_571 = tpu.vector_load_idx %arg17[%add3A_570] : memref<4112xf32, #tpu.memory_space<vmem>>[vector<16xi32>], vector<16xf32>,
        %mul3A_572 = arith.mulf %gather3A_473, %gather3A_571 : vector<16xf32>
        %add3A_573 = arith.addf %scan3A_466, %mul3A_572 : vector<16xf32>
        %mul3A_574 = arith.constant 4 : i32
        %mul3A_575 = arith.muli %scan3A_450, %mul3A_574 : i32
        %add3A_576 = arith.constant 1 : i32
        %add3A_577 = arith.addi %mul3A_575, %add3A_576 : i32
        %add3A_578 = vector.broadcast %add3A_577 : i32 to vector<16xi32>
        %add3A_579 = arith.addi %add3A_292, %add3A_578 : vector<16xi32>
        %gather3A_580 = tpu.vector_load_idx %arg12[%add3A_579] : memref<65536xf32, #tpu.memory_space<vmem>>[vector<16xi32>], vector<16xf32>,
        %mul3A_581 = arith.constant 8 : i32
        %mul3A_582 = arith.muli %add3A_577, %mul3A_581 : i32
        %add3A_583 = vector.broadcast %mul3A_582 : i32 to vector<16xi32>
        %add3A_584 = arith.addi %mul3A_222, %add3A_583 : vector<16xi32>
        %add3A_585 = arith.constant 0 : i32
        %add3A_586 = vector.broadcast %add3A_585 : i32 to vector<16xi32>
        %add3A_587 = arith.addi %add3A_584, %add3A_586 : vector<16xi32>
        %gather3A_588 = tpu.vector_load_idx %arg13[%add3A_587] : memref<4112xf32, #tpu.memory_space<vmem>>[vector<16xi32>], vector<16xf32>,
        %mul3A_589 = arith.mulf %gather3A_580, %gather3A_588 : vector<16xf32>
        %add3A_590 = arith.addf %add3A_483, %mul3A_589 : vector<16xf32>
        %add3A_591 = arith.constant 1 : i32
        %add3A_592 = vector.broadcast %add3A_591 : i32 to vector<16xi32>
        %add3A_593 = arith.addi %add3A_584, %add3A_592 : vector<16xi32>
        %gather3A_594 = tpu.vector_load_idx %arg13[%add3A_593] : memref<4112xf32, #tpu.memory_space<vmem>>[vector<16xi32>], vector<16xf32>,
        %mul3A_595 = arith.mulf %gather3A_580, %gather3A_594 : vector<16xf32>
        %add3A_596 = arith.addf %add3A_489, %mul3A_595 : vector<16xf32>
        %add3A_597 = arith.constant 2 : i32
        %add3A_598 = vector.broadcast %add3A_597 : i32 to vector<16xi32>
        %add3A_599 = arith.addi %add3A_584, %add3A_598 : vector<16xi32>
        %gather3A_600 = tpu.vector_load_idx %arg13[%add3A_599] : memref<4112xf32, #tpu.memory_space<vmem>>[vector<16xi32>], vector<16xf32>,
        %mul3A_601 = arith.mulf %gather3A_580, %gather3A_600 : vector<16xf32>
        %add3A_602 = arith.addf %add3A_495, %mul3A_601 : vector<16xf32>
        %add3A_603 = arith.constant 3 : i32
        %add3A_604 = vector.broadcast %add3A_603 : i32 to vector<16xi32>
        %add3A_605 = arith.addi %add3A_584, %add3A_604 : vector<16xi32>
        %gather3A_606 = tpu.vector_load_idx %arg13[%add3A_605] : memref<4112xf32, #tpu.memory_space<vmem>>[vector<16xi32>], vector<16xf32>,
        %mul3A_607 = arith.mulf %gather3A_580, %gather3A_606 : vector<16xf32>
        %add3A_608 = arith.addf %add3A_501, %mul3A_607 : vector<16xf32>
        %add3A_609 = arith.constant 4 : i32
        %add3A_610 = vector.broadcast %add3A_609 : i32 to vector<16xi32>
        %add3A_611 = arith.addi %add3A_584, %add3A_610 : vector<16xi32>
        %gather3A_612 = tpu.vector_load_idx %arg13[%add3A_611] : memref<4112xf32, #tpu.memory_space<vmem>>[vector<16xi32>], vector<16xf32>,
        %mul3A_613 = arith.mulf %gather3A_580, %gather3A_612 : vector<16xf32>
        %add3A_614 = arith.addf %add3A_507, %mul3A_613 : vector<16xf32>
        %add3A_615 = arith.constant 5 : i32
        %add3A_616 = vector.broadcast %add3A_615 : i32 to vector<16xi32>
        %add3A_617 = arith.addi %add3A_584, %add3A_616 : vector<16xi32>
        %gather3A_618 = tpu.vector_load_idx %arg13[%add3A_617] : memref<4112xf32, #tpu.memory_space<vmem>>[vector<16xi32>], vector<16xf32>,
        %mul3A_619 = arith.mulf %gather3A_580, %gather3A_618 : vector<16xf32>
        %add3A_620 = arith.addf %add3A_513, %mul3A_619 : vector<16xf32>
        %add3A_621 = arith.constant 6 : i32
        %add3A_622 = vector.broadcast %add3A_621 : i32 to vector<16xi32>
        %add3A_623 = arith.addi %add3A_584, %add3A_622 : vector<16xi32>
        %gather3A_624 = tpu.vector_load_idx %arg13[%add3A_623] : memref<4112xf32, #tpu.memory_space<vmem>>[vector<16xi32>], vector<16xf32>,
        %mul3A_625 = arith.mulf %gather3A_580, %gather3A_624 : vector<16xf32>
        %add3A_626 = arith.addf %add3A_519, %mul3A_625 : vector<16xf32>
        %add3A_627 = arith.constant 7 : i32
        %add3A_628 = vector.broadcast %add3A_627 : i32 to vector<16xi32>
        %add3A_629 = arith.addi %add3A_584, %add3A_628 : vector<16xi32>
        %gather3A_630 = tpu.vector_load_idx %arg13[%add3A_629] : memref<4112xf32, #tpu.memory_space<vmem>>[vector<16xi32>], vector<16xf32>,
        %mul3A_631 = arith.mulf %gather3A_580, %gather3A_630 : vector<16xf32>
        %add3A_632 = arith.addf %add3A_525, %mul3A_631 : vector<16xf32>
        %add3A_633 = arith.constant 0 : i32
        %add3A_634 = vector.broadcast %add3A_633 : i32 to vector<16xi32>
        %add3A_635 = arith.addi %add3A_584, %add3A_634 : vector<16xi32>
        %gather3A_636 = tpu.vector_load_idx %arg17[%add3A_635] : memref<4112xf32, #tpu.memory_space<vmem>>[vector<16xi32>], vector<16xf32>,
        %mul3A_637 = arith.mulf %gather3A_580, %gather3A_636 : vector<16xf32>
        %add3A_638 = arith.addf %add3A_531, %mul3A_637 : vector<16xf32>
        %add3A_639 = arith.constant 1 : i32
        %add3A_640 = vector.broadcast %add3A_639 : i32 to vector<16xi32>
        %add3A_641 = arith.addi %add3A_584, %add3A_640 : vector<16xi32>
        %gather3A_642 = tpu.vector_load_idx %arg17[%add3A_641] : memref<4112xf32, #tpu.memory_space<vmem>>[vector<16xi32>], vector<16xf32>,
        %mul3A_643 = arith.mulf %gather3A_580, %gather3A_642 : vector<16xf32>
        %add3A_644 = arith.addf %add3A_537, %mul3A_643 : vector<16xf32>
        %add3A_645 = arith.constant 2 : i32
        %add3A_646 = vector.broadcast %add3A_645 : i32 to vector<16xi32>
        %add3A_647 = arith.addi %add3A_584, %add3A_646 : vector<16xi32>
        %gather3A_648 = tpu.vector_load_idx %arg17[%add3A_647] : memref<4112xf32, #tpu.memory_space<vmem>>[vector<16xi32>], vector<16xf32>,
        %mul3A_649 = arith.mulf %gather3A_580, %gather3A_648 : vector<16xf32>
        %add3A_650 = arith.addf %add3A_543, %mul3A_649 : vector<16xf32>
        %add3A_651 = arith.constant 3 : i32
        %add3A_652 = vector.broadcast %add3A_651 : i32 to vector<16xi32>
        %add3A_653 = arith.addi %add3A_584, %add3A_652 : vector<16xi32>
        %gather3A_654 = tpu.vector_load_idx %arg17[%add3A_653] : memref<4112xf32, #tpu.memory_space<vmem>>[vector<16xi32>], vector<16xf32>,
        %mul3A_655 = arith.mulf %gather3A_580, %gather3A_654 : vector<16xf32>
        %add3A_656 = arith.addf %add3A_549, %mul3A_655 : vector<16xf32>
        %add3A_657 = arith.constant 4 : i32
        %add3A_658 = vector.broadcast %add3A_657 : i32 to vector<16xi32>
        %add3A_659 = arith.addi %add3A_584, %add3A_658 : vector<16xi32>
        %gather3A_660 = tpu.vector_load_idx %arg17[%add3A_659] : memref<4112xf32, #tpu.memory_space<vmem>>[vector<16xi32>], vector<16xf32>,
        %mul3A_661 = arith.mulf %gather3A_580, %gather3A_660 : vector<16xf32>
        %add3A_662 = arith.addf %add3A_555, %mul3A_661 : vector<16xf32>
        %add3A_663 = arith.constant 5 : i32
        %add3A_664 = vector.broadcast %add3A_663 : i32 to vector<16xi32>
        %add3A_665 = arith.addi %add3A_584, %add3A_664 : vector<16xi32>
        %gather3A_666 = tpu.vector_load_idx %arg17[%add3A_665] : memref<4112xf32, #tpu.memory_space<vmem>>[vector<16xi32>], vector<16xf32>,
        %mul3A_667 = arith.mulf %gather3A_580, %gather3A_666 : vector<16xf32>
        %add3A_668 = arith.addf %add3A_561, %mul3A_667 : vector<16xf32>
        %add3A_669 = arith.constant 6 : i32
        %add3A_670 = vector.broadcast %add3A_669 : i32 to vector<16xi32>
        %add3A_671 = arith.addi %add3A_584, %add3A_670 : vector<16xi32>
        %gather3A_672 = tpu.vector_load_idx %arg17[%add3A_671] : memref<4112xf32, #tpu.memory_space<vmem>>[vector<16xi32>], vector<16xf32>,
        %mul3A_673 = arith.mulf %gather3A_580, %gather3A_672 : vector<16xf32>
        %add3A_674 = arith.addf %add3A_567, %mul3A_673 : vector<16xf32>
        %add3A_675 = arith.constant 7 : i32
        %add3A_676 = vector.broadcast %add3A_675 : i32 to vector<16xi32>
        %add3A_677 = arith.addi %add3A_584, %add3A_676 : vector<16xi32>
        %gather3A_678 = tpu.vector_load_idx %arg17[%add3A_677] : memref<4112xf32, #tpu.memory_space<vmem>>[vector<16xi32>], vector<16xf32>,
        %mul3A_679 = arith.mulf %gather3A_580, %gather3A_678 : vector<16xf32>
        %add3A_680 = arith.addf %add3A_573, %mul3A_679 : vector<16xf32>
        %mul3A_681 = arith.constant 4 : i32
        %mul3A_682 = arith.muli %scan3A_450, %mul3A_681 : i32
        %add3A_683 = arith.constant 2 : i32
        %add3A_684 = arith.addi %mul3A_682, %add3A_683 : i32
        %add3A_685 = vector.broadcast %add3A_684 : i32 to vector<16xi32>
        %add3A_686 = arith.addi %add3A_292, %add3A_685 : vector<16xi32>
        %gather3A_687 = tpu.vector_load_idx %arg12[%add3A_686] : memref<65536xf32, #tpu.memory_space<vmem>>[vector<16xi32>], vector<16xf32>,
        %mul3A_688 = arith.constant 8 : i32
        %mul3A_689 = arith.muli %add3A_684, %mul3A_688 : i32
        %add3A_690 = vector.broadcast %mul3A_689 : i32 to vector<16xi32>
        %add3A_691 = arith.addi %mul3A_222, %add3A_690 : vector<16xi32>
        %add3A_692 = arith.constant 0 : i32
        %add3A_693 = vector.broadcast %add3A_692 : i32 to vector<16xi32>
        %add3A_694 = arith.addi %add3A_691, %add3A_693 : vector<16xi32>
        %gather3A_695 = tpu.vector_load_idx %arg13[%add3A_694] : memref<4112xf32, #tpu.memory_space<vmem>>[vector<16xi32>], vector<16xf32>,
        %mul3A_696 = arith.mulf %gather3A_687, %gather3A_695 : vector<16xf32>
        %add3A_697 = arith.addf %add3A_590, %mul3A_696 : vector<16xf32>
        %add3A_698 = arith.constant 1 : i32
        %add3A_699 = vector.broadcast %add3A_698 : i32 to vector<16xi32>
        %add3A_700 = arith.addi %add3A_691, %add3A_699 : vector<16xi32>
        %gather3A_701 = tpu.vector_load_idx %arg13[%add3A_700] : memref<4112xf32, #tpu.memory_space<vmem>>[vector<16xi32>], vector<16xf32>,
        %mul3A_702 = arith.mulf %gather3A_687, %gather3A_701 : vector<16xf32>
        %add3A_703 = arith.addf %add3A_596, %mul3A_702 : vector<16xf32>
        %add3A_704 = arith.constant 2 : i32
        %add3A_705 = vector.broadcast %add3A_704 : i32 to vector<16xi32>
        %add3A_706 = arith.addi %add3A_691, %add3A_705 : vector<16xi32>
        %gather3A_707 = tpu.vector_load_idx %arg13[%add3A_706] : memref<4112xf32, #tpu.memory_space<vmem>>[vector<16xi32>], vector<16xf32>,
        %mul3A_708 = arith.mulf %gather3A_687, %gather3A_707 : vector<16xf32>
        %add3A_709 = arith.addf %add3A_602, %mul3A_708 : vector<16xf32>
        %add3A_710 = arith.constant 3 : i32
        %add3A_711 = vector.broadcast %add3A_710 : i32 to vector<16xi32>
        %add3A_712 = arith.addi %add3A_691, %add3A_711 : vector<16xi32>
        %gather3A_713 = tpu.vector_load_idx %arg13[%add3A_712] : memref<4112xf32, #tpu.memory_space<vmem>>[vector<16xi32>], vector<16xf32>,
        %mul3A_714 = arith.mulf %gather3A_687, %gather3A_713 : vector<16xf32>
        %add3A_715 = arith.addf %add3A_608, %mul3A_714 : vector<16xf32>
        %add3A_716 = arith.constant 4 : i32
        %add3A_717 = vector.broadcast %add3A_716 : i32 to vector<16xi32>
        %add3A_718 = arith.addi %add3A_691, %add3A_717 : vector<16xi32>
        %gather3A_719 = tpu.vector_load_idx %arg13[%add3A_718] : memref<4112xf32, #tpu.memory_space<vmem>>[vector<16xi32>], vector<16xf32>,
        %mul3A_720 = arith.mulf %gather3A_687, %gather3A_719 : vector<16xf32>
        %add3A_721 = arith.addf %add3A_614, %mul3A_720 : vector<16xf32>
        %add3A_722 = arith.constant 5 : i32
        %add3A_723 = vector.broadcast %add3A_722 : i32 to vector<16xi32>
        %add3A_724 = arith.addi %add3A_691, %add3A_723 : vector<16xi32>
        %gather3A_725 = tpu.vector_load_idx %arg13[%add3A_724] : memref<4112xf32, #tpu.memory_space<vmem>>[vector<16xi32>], vector<16xf32>,
        %mul3A_726 = arith.mulf %gather3A_687, %gather3A_725 : vector<16xf32>
        %add3A_727 = arith.addf %add3A_620, %mul3A_726 : vector<16xf32>
        %add3A_728 = arith.constant 6 : i32
        %add3A_729 = vector.broadcast %add3A_728 : i32 to vector<16xi32>
        %add3A_730 = arith.addi %add3A_691, %add3A_729 : vector<16xi32>
        %gather3A_731 = tpu.vector_load_idx %arg13[%add3A_730] : memref<4112xf32, #tpu.memory_space<vmem>>[vector<16xi32>], vector<16xf32>,
        %mul3A_732 = arith.mulf %gather3A_687, %gather3A_731 : vector<16xf32>
        %add3A_733 = arith.addf %add3A_626, %mul3A_732 : vector<16xf32>
        %add3A_734 = arith.constant 7 : i32
        %add3A_735 = vector.broadcast %add3A_734 : i32 to vector<16xi32>
        %add3A_736 = arith.addi %add3A_691, %add3A_735 : vector<16xi32>
        %gather3A_737 = tpu.vector_load_idx %arg13[%add3A_736] : memref<4112xf32, #tpu.memory_space<vmem>>[vector<16xi32>], vector<16xf32>,
        %mul3A_738 = arith.mulf %gather3A_687, %gather3A_737 : vector<16xf32>
        %add3A_739 = arith.addf %add3A_632, %mul3A_738 : vector<16xf32>
        %add3A_740 = arith.constant 0 : i32
        %add3A_741 = vector.broadcast %add3A_740 : i32 to vector<16xi32>
        %add3A_742 = arith.addi %add3A_691, %add3A_741 : vector<16xi32>
        %gather3A_743 = tpu.vector_load_idx %arg17[%add3A_742] : memref<4112xf32, #tpu.memory_space<vmem>>[vector<16xi32>], vector<16xf32>,
        %mul3A_744 = arith.mulf %gather3A_687, %gather3A_743 : vector<16xf32>
        %add3A_745 = arith.addf %add3A_638, %mul3A_744 : vector<16xf32>
        %add3A_746 = arith.constant 1 : i32
        %add3A_747 = vector.broadcast %add3A_746 : i32 to vector<16xi32>
        %add3A_748 = arith.addi %add3A_691, %add3A_747 : vector<16xi32>
        %gather3A_749 = tpu.vector_load_idx %arg17[%add3A_748] : memref<4112xf32, #tpu.memory_space<vmem>>[vector<16xi32>], vector<16xf32>,
        %mul3A_750 = arith.mulf %gather3A_687, %gather3A_749 : vector<16xf32>
        %add3A_751 = arith.addf %add3A_644, %mul3A_750 : vector<16xf32>
        %add3A_752 = arith.constant 2 : i32
        %add3A_753 = vector.broadcast %add3A_752 : i32 to vector<16xi32>
        %add3A_754 = arith.addi %add3A_691, %add3A_753 : vector<16xi32>
        %gather3A_755 = tpu.vector_load_idx %arg17[%add3A_754] : memref<4112xf32, #tpu.memory_space<vmem>>[vector<16xi32>], vector<16xf32>,
        %mul3A_756 = arith.mulf %gather3A_687, %gather3A_755 : vector<16xf32>
        %add3A_757 = arith.addf %add3A_650, %mul3A_756 : vector<16xf32>
        %add3A_758 = arith.constant 3 : i32
        %add3A_759 = vector.broadcast %add3A_758 : i32 to vector<16xi32>
        %add3A_760 = arith.addi %add3A_691, %add3A_759 : vector<16xi32>
        %gather3A_761 = tpu.vector_load_idx %arg17[%add3A_760] : memref<4112xf32, #tpu.memory_space<vmem>>[vector<16xi32>], vector<16xf32>,
        %mul3A_762 = arith.mulf %gather3A_687, %gather3A_761 : vector<16xf32>
        %add3A_763 = arith.addf %add3A_656, %mul3A_762 : vector<16xf32>
        %add3A_764 = arith.constant 4 : i32
        %add3A_765 = vector.broadcast %add3A_764 : i32 to vector<16xi32>
        %add3A_766 = arith.addi %add3A_691, %add3A_765 : vector<16xi32>
        %gather3A_767 = tpu.vector_load_idx %arg17[%add3A_766] : memref<4112xf32, #tpu.memory_space<vmem>>[vector<16xi32>], vector<16xf32>,
        %mul3A_768 = arith.mulf %gather3A_687, %gather3A_767 : vector<16xf32>
        %add3A_769 = arith.addf %add3A_662, %mul3A_768 : vector<16xf32>
        %add3A_770 = arith.constant 5 : i32
        %add3A_771 = vector.broadcast %add3A_770 : i32 to vector<16xi32>
        %add3A_772 = arith.addi %add3A_691, %add3A_771 : vector<16xi32>
        %gather3A_773 = tpu.vector_load_idx %arg17[%add3A_772] : memref<4112xf32, #tpu.memory_space<vmem>>[vector<16xi32>], vector<16xf32>,
        %mul3A_774 = arith.mulf %gather3A_687, %gather3A_773 : vector<16xf32>
        %add3A_775 = arith.addf %add3A_668, %mul3A_774 : vector<16xf32>
        %add3A_776 = arith.constant 6 : i32
        %add3A_777 = vector.broadcast %add3A_776 : i32 to vector<16xi32>
        %add3A_778 = arith.addi %add3A_691, %add3A_777 : vector<16xi32>
        %gather3A_779 = tpu.vector_load_idx %arg17[%add3A_778] : memref<4112xf32, #tpu.memory_space<vmem>>[vector<16xi32>], vector<16xf32>,
        %mul3A_780 = arith.mulf %gather3A_687, %gather3A_779 : vector<16xf32>
        %add3A_781 = arith.addf %add3A_674, %mul3A_780 : vector<16xf32>
        %add3A_782 = arith.constant 7 : i32
        %add3A_783 = vector.broadcast %add3A_782 : i32 to vector<16xi32>
        %add3A_784 = arith.addi %add3A_691, %add3A_783 : vector<16xi32>
        %gather3A_785 = tpu.vector_load_idx %arg17[%add3A_784] : memref<4112xf32, #tpu.memory_space<vmem>>[vector<16xi32>], vector<16xf32>,
        %mul3A_786 = arith.mulf %gather3A_687, %gather3A_785 : vector<16xf32>
        %add3A_787 = arith.addf %add3A_680, %mul3A_786 : vector<16xf32>
        %mul3A_788 = arith.constant 4 : i32
        %mul3A_789 = arith.muli %scan3A_450, %mul3A_788 : i32
        %add3A_790 = arith.constant 3 : i32
        %add3A_791 = arith.addi %mul3A_789, %add3A_790 : i32
        %add3A_792 = vector.broadcast %add3A_791 : i32 to vector<16xi32>
        %add3A_793 = arith.addi %add3A_292, %add3A_792 : vector<16xi32>
        %gather3A_794 = tpu.vector_load_idx %arg12[%add3A_793] : memref<65536xf32, #tpu.memory_space<vmem>>[vector<16xi32>], vector<16xf32>,
        %mul3A_795 = arith.constant 8 : i32
        %mul3A_796 = arith.muli %add3A_791, %mul3A_795 : i32
        %add3A_797 = vector.broadcast %mul3A_796 : i32 to vector<16xi32>
        %add3A_798 = arith.addi %mul3A_222, %add3A_797 : vector<16xi32>
        %add3A_799 = arith.constant 0 : i32
        %add3A_800 = vector.broadcast %add3A_799 : i32 to vector<16xi32>
        %add3A_801 = arith.addi %add3A_798, %add3A_800 : vector<16xi32>
        %gather3A_802 = tpu.vector_load_idx %arg13[%add3A_801] : memref<4112xf32, #tpu.memory_space<vmem>>[vector<16xi32>], vector<16xf32>,
        %mul3A_803 = arith.mulf %gather3A_794, %gather3A_802 : vector<16xf32>
        %add3A_804 = arith.addf %add3A_697, %mul3A_803 : vector<16xf32>
        %add3A_805 = arith.constant 1 : i32
        %add3A_806 = vector.broadcast %add3A_805 : i32 to vector<16xi32>
        %add3A_807 = arith.addi %add3A_798, %add3A_806 : vector<16xi32>
        %gather3A_808 = tpu.vector_load_idx %arg13[%add3A_807] : memref<4112xf32, #tpu.memory_space<vmem>>[vector<16xi32>], vector<16xf32>,
        %mul3A_809 = arith.mulf %gather3A_794, %gather3A_808 : vector<16xf32>
        %add3A_810 = arith.addf %add3A_703, %mul3A_809 : vector<16xf32>
        %add3A_811 = arith.constant 2 : i32
        %add3A_812 = vector.broadcast %add3A_811 : i32 to vector<16xi32>
        %add3A_813 = arith.addi %add3A_798, %add3A_812 : vector<16xi32>
        %gather3A_814 = tpu.vector_load_idx %arg13[%add3A_813] : memref<4112xf32, #tpu.memory_space<vmem>>[vector<16xi32>], vector<16xf32>,
        %mul3A_815 = arith.mulf %gather3A_794, %gather3A_814 : vector<16xf32>
        %add3A_816 = arith.addf %add3A_709, %mul3A_815 : vector<16xf32>
        %add3A_817 = arith.constant 3 : i32
        %add3A_818 = vector.broadcast %add3A_817 : i32 to vector<16xi32>
        %add3A_819 = arith.addi %add3A_798, %add3A_818 : vector<16xi32>
        %gather3A_820 = tpu.vector_load_idx %arg13[%add3A_819] : memref<4112xf32, #tpu.memory_space<vmem>>[vector<16xi32>], vector<16xf32>,
        %mul3A_821 = arith.mulf %gather3A_794, %gather3A_820 : vector<16xf32>
        %add3A_822 = arith.addf %add3A_715, %mul3A_821 : vector<16xf32>
        %add3A_823 = arith.constant 4 : i32
        %add3A_824 = vector.broadcast %add3A_823 : i32 to vector<16xi32>
        %add3A_825 = arith.addi %add3A_798, %add3A_824 : vector<16xi32>
        %gather3A_826 = tpu.vector_load_idx %arg13[%add3A_825] : memref<4112xf32, #tpu.memory_space<vmem>>[vector<16xi32>], vector<16xf32>,
        %mul3A_827 = arith.mulf %gather3A_794, %gather3A_826 : vector<16xf32>
        %add3A_828 = arith.addf %add3A_721, %mul3A_827 : vector<16xf32>
        %add3A_829 = arith.constant 5 : i32
        %add3A_830 = vector.broadcast %add3A_829 : i32 to vector<16xi32>
        %add3A_831 = arith.addi %add3A_798, %add3A_830 : vector<16xi32>
        %gather3A_832 = tpu.vector_load_idx %arg13[%add3A_831] : memref<4112xf32, #tpu.memory_space<vmem>>[vector<16xi32>], vector<16xf32>,
        %mul3A_833 = arith.mulf %gather3A_794, %gather3A_832 : vector<16xf32>
        %add3A_834 = arith.addf %add3A_727, %mul3A_833 : vector<16xf32>
        %add3A_835 = arith.constant 6 : i32
        %add3A_836 = vector.broadcast %add3A_835 : i32 to vector<16xi32>
        %add3A_837 = arith.addi %add3A_798, %add3A_836 : vector<16xi32>
        %gather3A_838 = tpu.vector_load_idx %arg13[%add3A_837] : memref<4112xf32, #tpu.memory_space<vmem>>[vector<16xi32>], vector<16xf32>,
        %mul3A_839 = arith.mulf %gather3A_794, %gather3A_838 : vector<16xf32>
        %add3A_840 = arith.addf %add3A_733, %mul3A_839 : vector<16xf32>
        %add3A_841 = arith.constant 7 : i32
        %add3A_842 = vector.broadcast %add3A_841 : i32 to vector<16xi32>
        %add3A_843 = arith.addi %add3A_798, %add3A_842 : vector<16xi32>
        %gather3A_844 = tpu.vector_load_idx %arg13[%add3A_843] : memref<4112xf32, #tpu.memory_space<vmem>>[vector<16xi32>], vector<16xf32>,
        %mul3A_845 = arith.mulf %gather3A_794, %gather3A_844 : vector<16xf32>
        %add3A_846 = arith.addf %add3A_739, %mul3A_845 : vector<16xf32>
        %add3A_847 = arith.constant 0 : i32
        %add3A_848 = vector.broadcast %add3A_847 : i32 to vector<16xi32>
        %add3A_849 = arith.addi %add3A_798, %add3A_848 : vector<16xi32>
        %gather3A_850 = tpu.vector_load_idx %arg17[%add3A_849] : memref<4112xf32, #tpu.memory_space<vmem>>[vector<16xi32>], vector<16xf32>,
        %mul3A_851 = arith.mulf %gather3A_794, %gather3A_850 : vector<16xf32>
        %add3A_852 = arith.addf %add3A_745, %mul3A_851 : vector<16xf32>
        %add3A_853 = arith.constant 1 : i32
        %add3A_854 = vector.broadcast %add3A_853 : i32 to vector<16xi32>
        %add3A_855 = arith.addi %add3A_798, %add3A_854 : vector<16xi32>
        %gather3A_856 = tpu.vector_load_idx %arg17[%add3A_855] : memref<4112xf32, #tpu.memory_space<vmem>>[vector<16xi32>], vector<16xf32>,
        %mul3A_857 = arith.mulf %gather3A_794, %gather3A_856 : vector<16xf32>
        %add3A_858 = arith.addf %add3A_751, %mul3A_857 : vector<16xf32>
        %add3A_859 = arith.constant 2 : i32
        %add3A_860 = vector.broadcast %add3A_859 : i32 to vector<16xi32>
        %add3A_861 = arith.addi %add3A_798, %add3A_860 : vector<16xi32>
        %gather3A_862 = tpu.vector_load_idx %arg17[%add3A_861] : memref<4112xf32, #tpu.memory_space<vmem>>[vector<16xi32>], vector<16xf32>,
        %mul3A_863 = arith.mulf %gather3A_794, %gather3A_862 : vector<16xf32>
        %add3A_864 = arith.addf %add3A_757, %mul3A_863 : vector<16xf32>
        %add3A_865 = arith.constant 3 : i32
        %add3A_866 = vector.broadcast %add3A_865 : i32 to vector<16xi32>
        %add3A_867 = arith.addi %add3A_798, %add3A_866 : vector<16xi32>
        %gather3A_868 = tpu.vector_load_idx %arg17[%add3A_867] : memref<4112xf32, #tpu.memory_space<vmem>>[vector<16xi32>], vector<16xf32>,
        %mul3A_869 = arith.mulf %gather3A_794, %gather3A_868 : vector<16xf32>
        %add3A_870 = arith.addf %add3A_763, %mul3A_869 : vector<16xf32>
        %add3A_871 = arith.constant 4 : i32
        %add3A_872 = vector.broadcast %add3A_871 : i32 to vector<16xi32>
        %add3A_873 = arith.addi %add3A_798, %add3A_872 : vector<16xi32>
        %gather3A_874 = tpu.vector_load_idx %arg17[%add3A_873] : memref<4112xf32, #tpu.memory_space<vmem>>[vector<16xi32>], vector<16xf32>,
        %mul3A_875 = arith.mulf %gather3A_794, %gather3A_874 : vector<16xf32>
        %add3A_876 = arith.addf %add3A_769, %mul3A_875 : vector<16xf32>
        %add3A_877 = arith.constant 5 : i32
        %add3A_878 = vector.broadcast %add3A_877 : i32 to vector<16xi32>
        %add3A_879 = arith.addi %add3A_798, %add3A_878 : vector<16xi32>
        %gather3A_880 = tpu.vector_load_idx %arg17[%add3A_879] : memref<4112xf32, #tpu.memory_space<vmem>>[vector<16xi32>], vector<16xf32>,
        %mul3A_881 = arith.mulf %gather3A_794, %gather3A_880 : vector<16xf32>
        %add3A_882 = arith.addf %add3A_775, %mul3A_881 : vector<16xf32>
        %add3A_883 = arith.constant 6 : i32
        %add3A_884 = vector.broadcast %add3A_883 : i32 to vector<16xi32>
        %add3A_885 = arith.addi %add3A_798, %add3A_884 : vector<16xi32>
        %gather3A_886 = tpu.vector_load_idx %arg17[%add3A_885] : memref<4112xf32, #tpu.memory_space<vmem>>[vector<16xi32>], vector<16xf32>,
        %mul3A_887 = arith.mulf %gather3A_794, %gather3A_886 : vector<16xf32>
        %add3A_888 = arith.addf %add3A_781, %mul3A_887 : vector<16xf32>
        %add3A_889 = arith.constant 7 : i32
        %add3A_890 = vector.broadcast %add3A_889 : i32 to vector<16xi32>
        %add3A_891 = arith.addi %add3A_798, %add3A_890 : vector<16xi32>
        %gather3A_892 = tpu.vector_load_idx %arg17[%add3A_891] : memref<4112xf32, #tpu.memory_space<vmem>>[vector<16xi32>], vector<16xf32>,
        %mul3A_893 = arith.mulf %gather3A_794, %gather3A_892 : vector<16xf32>
        %add3A_894 = arith.addf %add3A_787, %mul3A_893 : vector<16xf32>
        scf.yield %add3A_804, %add3A_810, %add3A_816, %add3A_822, %add3A_828, %add3A_834, %add3A_840, %add3A_846, %add3A_852, %add3A_858, %add3A_864, %add3A_870, %add3A_876, %add3A_882, %add3A_888, %add3A_894 : vector<16xf32>, vector<16xf32>, vector<16xf32>, vector<16xf32>, vector<16xf32>, vector<16xf32>, vector<16xf32>, vector<16xf32>, vector<16xf32>, vector<16xf32>, vector<16xf32>, vector<16xf32>, vector<16xf32>, vector<16xf32>, vector<16xf32>, vector<16xf32>
      }
      %scan3A_298 = arith.constant 8 : i32
      %gather3A_299 = tpu.vector_load_idx %arg16[%select_n3A_219] : memref<16xf32, #tpu.memory_space<vmem>>[vector<16xi32>], vector<16xf32>,
      %gather3A_300 = tpu.vector_load_idx %arg20[%select_n3A_219] : memref<16xf32, #tpu.memory_space<vmem>>[vector<16xi32>], vector<16xf32>,
      %max3A = arith.constant 0.000000e+00 : f32
      %max3A_301 = vector.broadcast %max3A : f32 to vector<16xf32>
      %max3A_302 = arith.maximumf %scan3A_297#0, %max3A_301 : vector<16xf32>
      %add3A_303 = arith.constant 0 : i32
      %add3A_304 = vector.broadcast %add3A_303 : i32 to vector<16xi32>
      %add3A_305 = arith.addi %mul3A_225, %add3A_304 : vector<16xi32>
      %gather3A_306 = tpu.vector_load_idx %arg15[%add3A_305] : memref<144xf32, #tpu.memory_space<vmem>>[vector<16xi32>], vector<16xf32>,
      %mul3A_307 = arith.mulf %max3A_302, %gather3A_306 : vector<16xf32>
      %add3A_308 = arith.addf %gather3A_299, %mul3A_307 : vector<16xf32>
      %max3A_309 = arith.constant 0.000000e+00 : f32
      %max3A_310 = vector.broadcast %max3A_309 : f32 to vector<16xf32>
      %max3A_311 = arith.maximumf %scan3A_297#8, %max3A_310 : vector<16xf32>
      %add3A_312 = arith.constant 0 : i32
      %add3A_313 = vector.broadcast %add3A_312 : i32 to vector<16xi32>
      %add3A_314 = arith.addi %mul3A_225, %add3A_313 : vector<16xi32>
      %gather3A_315 = tpu.vector_load_idx %arg19[%add3A_314] : memref<144xf32, #tpu.memory_space<vmem>>[vector<16xi32>], vector<16xf32>,
      %mul3A_316 = arith.mulf %max3A_311, %gather3A_315 : vector<16xf32>
      %add3A_317 = arith.addf %gather3A_300, %mul3A_316 : vector<16xf32>
      %max3A_318 = arith.constant 0.000000e+00 : f32
      %max3A_319 = vector.broadcast %max3A_318 : f32 to vector<16xf32>
      %max3A_320 = arith.maximumf %scan3A_297#1, %max3A_319 : vector<16xf32>
      %add3A_321 = arith.constant 1 : i32
      %add3A_322 = vector.broadcast %add3A_321 : i32 to vector<16xi32>
      %add3A_323 = arith.addi %mul3A_225, %add3A_322 : vector<16xi32>
      %gather3A_324 = tpu.vector_load_idx %arg15[%add3A_323] : memref<144xf32, #tpu.memory_space<vmem>>[vector<16xi32>], vector<16xf32>,
      %mul3A_325 = arith.mulf %max3A_320, %gather3A_324 : vector<16xf32>
      %add3A_326 = arith.addf %add3A_308, %mul3A_325 : vector<16xf32>
      %max3A_327 = arith.constant 0.000000e+00 : f32
      %max3A_328 = vector.broadcast %max3A_327 : f32 to vector<16xf32>
      %max3A_329 = arith.maximumf %scan3A_297#9, %max3A_328 : vector<16xf32>
      %add3A_330 = arith.constant 1 : i32
      %add3A_331 = vector.broadcast %add3A_330 : i32 to vector<16xi32>
      %add3A_332 = arith.addi %mul3A_225, %add3A_331 : vector<16xi32>
      %gather3A_333 = tpu.vector_load_idx %arg19[%add3A_332] : memref<144xf32, #tpu.memory_space<vmem>>[vector<16xi32>], vector<16xf32>,
      %mul3A_334 = arith.mulf %max3A_329, %gather3A_333 : vector<16xf32>
      %add3A_335 = arith.addf %add3A_317, %mul3A_334 : vector<16xf32>
      %max3A_336 = arith.constant 0.000000e+00 : f32
      %max3A_337 = vector.broadcast %max3A_336 : f32 to vector<16xf32>
      %max3A_338 = arith.maximumf %scan3A_297#2, %max3A_337 : vector<16xf32>
      %add3A_339 = arith.constant 2 : i32
      %add3A_340 = vector.broadcast %add3A_339 : i32 to vector<16xi32>
      %add3A_341 = arith.addi %mul3A_225, %add3A_340 : vector<16xi32>
      %gather3A_342 = tpu.vector_load_idx %arg15[%add3A_341] : memref<144xf32, #tpu.memory_space<vmem>>[vector<16xi32>], vector<16xf32>,
      %mul3A_343 = arith.mulf %max3A_338, %gather3A_342 : vector<16xf32>
      %add3A_344 = arith.addf %add3A_326, %mul3A_343 : vector<16xf32>
      %max3A_345 = arith.constant 0.000000e+00 : f32
      %max3A_346 = vector.broadcast %max3A_345 : f32 to vector<16xf32>
      %max3A_347 = arith.maximumf %scan3A_297#10, %max3A_346 : vector<16xf32>
      %add3A_348 = arith.constant 2 : i32
      %add3A_349 = vector.broadcast %add3A_348 : i32 to vector<16xi32>
      %add3A_350 = arith.addi %mul3A_225, %add3A_349 : vector<16xi32>
      %gather3A_351 = tpu.vector_load_idx %arg19[%add3A_350] : memref<144xf32, #tpu.memory_space<vmem>>[vector<16xi32>], vector<16xf32>,
      %mul3A_352 = arith.mulf %max3A_347, %gather3A_351 : vector<16xf32>
      %add3A_353 = arith.addf %add3A_335, %mul3A_352 : vector<16xf32>
      %max3A_354 = arith.constant 0.000000e+00 : f32
      %max3A_355 = vector.broadcast %max3A_354 : f32 to vector<16xf32>
      %max3A_356 = arith.maximumf %scan3A_297#3, %max3A_355 : vector<16xf32>
      %add3A_357 = arith.constant 3 : i32
      %add3A_358 = vector.broadcast %add3A_357 : i32 to vector<16xi32>
      %add3A_359 = arith.addi %mul3A_225, %add3A_358 : vector<16xi32>
      %gather3A_360 = tpu.vector_load_idx %arg15[%add3A_359] : memref<144xf32, #tpu.memory_space<vmem>>[vector<16xi32>], vector<16xf32>,
      %mul3A_361 = arith.mulf %max3A_356, %gather3A_360 : vector<16xf32>
      %add3A_362 = arith.addf %add3A_344, %mul3A_361 : vector<16xf32>
      %max3A_363 = arith.constant 0.000000e+00 : f32
      %max3A_364 = vector.broadcast %max3A_363 : f32 to vector<16xf32>
      %max3A_365 = arith.maximumf %scan3A_297#11, %max3A_364 : vector<16xf32>
      %add3A_366 = arith.constant 3 : i32
      %add3A_367 = vector.broadcast %add3A_366 : i32 to vector<16xi32>
      %add3A_368 = arith.addi %mul3A_225, %add3A_367 : vector<16xi32>
      %gather3A_369 = tpu.vector_load_idx %arg19[%add3A_368] : memref<144xf32, #tpu.memory_space<vmem>>[vector<16xi32>], vector<16xf32>,
      %mul3A_370 = arith.mulf %max3A_365, %gather3A_369 : vector<16xf32>
      %add3A_371 = arith.addf %add3A_353, %mul3A_370 : vector<16xf32>
      %max3A_372 = arith.constant 0.000000e+00 : f32
      %max3A_373 = vector.broadcast %max3A_372 : f32 to vector<16xf32>
      %max3A_374 = arith.maximumf %scan3A_297#4, %max3A_373 : vector<16xf32>
      %add3A_375 = arith.constant 4 : i32
      %add3A_376 = vector.broadcast %add3A_375 : i32 to vector<16xi32>
      %add3A_377 = arith.addi %mul3A_225, %add3A_376 : vector<16xi32>
      %gather3A_378 = tpu.vector_load_idx %arg15[%add3A_377] : memref<144xf32, #tpu.memory_space<vmem>>[vector<16xi32>], vector<16xf32>,
      %mul3A_379 = arith.mulf %max3A_374, %gather3A_378 : vector<16xf32>
      %add3A_380 = arith.addf %add3A_362, %mul3A_379 : vector<16xf32>
      %max3A_381 = arith.constant 0.000000e+00 : f32
      %max3A_382 = vector.broadcast %max3A_381 : f32 to vector<16xf32>
      %max3A_383 = arith.maximumf %scan3A_297#12, %max3A_382 : vector<16xf32>
      %add3A_384 = arith.constant 4 : i32
      %add3A_385 = vector.broadcast %add3A_384 : i32 to vector<16xi32>
      %add3A_386 = arith.addi %mul3A_225, %add3A_385 : vector<16xi32>
      %gather3A_387 = tpu.vector_load_idx %arg19[%add3A_386] : memref<144xf32, #tpu.memory_space<vmem>>[vector<16xi32>], vector<16xf32>,
      %mul3A_388 = arith.mulf %max3A_383, %gather3A_387 : vector<16xf32>
      %add3A_389 = arith.addf %add3A_371, %mul3A_388 : vector<16xf32>
      %max3A_390 = arith.constant 0.000000e+00 : f32
      %max3A_391 = vector.broadcast %max3A_390 : f32 to vector<16xf32>
      %max3A_392 = arith.maximumf %scan3A_297#5, %max3A_391 : vector<16xf32>
      %add3A_393 = arith.constant 5 : i32
      %add3A_394 = vector.broadcast %add3A_393 : i32 to vector<16xi32>
      %add3A_395 = arith.addi %mul3A_225, %add3A_394 : vector<16xi32>
      %gather3A_396 = tpu.vector_load_idx %arg15[%add3A_395] : memref<144xf32, #tpu.memory_space<vmem>>[vector<16xi32>], vector<16xf32>,
      %mul3A_397 = arith.mulf %max3A_392, %gather3A_396 : vector<16xf32>
      %add3A_398 = arith.addf %add3A_380, %mul3A_397 : vector<16xf32>
      %max3A_399 = arith.constant 0.000000e+00 : f32
      %max3A_400 = vector.broadcast %max3A_399 : f32 to vector<16xf32>
      %max3A_401 = arith.maximumf %scan3A_297#13, %max3A_400 : vector<16xf32>
      %add3A_402 = arith.constant 5 : i32
      %add3A_403 = vector.broadcast %add3A_402 : i32 to vector<16xi32>
      %add3A_404 = arith.addi %mul3A_225, %add3A_403 : vector<16xi32>
      %gather3A_405 = tpu.vector_load_idx %arg19[%add3A_404] : memref<144xf32, #tpu.memory_space<vmem>>[vector<16xi32>], vector<16xf32>,
      %mul3A_406 = arith.mulf %max3A_401, %gather3A_405 : vector<16xf32>
      %add3A_407 = arith.addf %add3A_389, %mul3A_406 : vector<16xf32>
      %max3A_408 = arith.constant 0.000000e+00 : f32
      %max3A_409 = vector.broadcast %max3A_408 : f32 to vector<16xf32>
      %max3A_410 = arith.maximumf %scan3A_297#6, %max3A_409 : vector<16xf32>
      %add3A_411 = arith.constant 6 : i32
      %add3A_412 = vector.broadcast %add3A_411 : i32 to vector<16xi32>
      %add3A_413 = arith.addi %mul3A_225, %add3A_412 : vector<16xi32>
      %gather3A_414 = tpu.vector_load_idx %arg15[%add3A_413] : memref<144xf32, #tpu.memory_space<vmem>>[vector<16xi32>], vector<16xf32>,
      %mul3A_415 = arith.mulf %max3A_410, %gather3A_414 : vector<16xf32>
      %add3A_416 = arith.addf %add3A_398, %mul3A_415 : vector<16xf32>
      %max3A_417 = arith.constant 0.000000e+00 : f32
      %max3A_418 = vector.broadcast %max3A_417 : f32 to vector<16xf32>
      %max3A_419 = arith.maximumf %scan3A_297#14, %max3A_418 : vector<16xf32>
      %add3A_420 = arith.constant 6 : i32
      %add3A_421 = vector.broadcast %add3A_420 : i32 to vector<16xi32>
      %add3A_422 = arith.addi %mul3A_225, %add3A_421 : vector<16xi32>
      %gather3A_423 = tpu.vector_load_idx %arg19[%add3A_422] : memref<144xf32, #tpu.memory_space<vmem>>[vector<16xi32>], vector<16xf32>,
      %mul3A_424 = arith.mulf %max3A_419, %gather3A_423 : vector<16xf32>
      %add3A_425 = arith.addf %add3A_407, %mul3A_424 : vector<16xf32>
      %max3A_426 = arith.constant 0.000000e+00 : f32
      %max3A_427 = vector.broadcast %max3A_426 : f32 to vector<16xf32>
      %max3A_428 = arith.maximumf %scan3A_297#7, %max3A_427 : vector<16xf32>
      %add3A_429 = arith.constant 7 : i32
      %add3A_430 = vector.broadcast %add3A_429 : i32 to vector<16xi32>
      %add3A_431 = arith.addi %mul3A_225, %add3A_430 : vector<16xi32>
      %gather3A_432 = tpu.vector_load_idx %arg15[%add3A_431] : memref<144xf32, #tpu.memory_space<vmem>>[vector<16xi32>], vector<16xf32>,
      %mul3A_433 = arith.mulf %max3A_428, %gather3A_432 : vector<16xf32>
      %add3A_434 = arith.addf %add3A_416, %mul3A_433 : vector<16xf32>
      %max3A_435 = arith.constant 0.000000e+00 : f32
      %max3A_436 = vector.broadcast %max3A_435 : f32 to vector<16xf32>
      %max3A_437 = arith.maximumf %scan3A_297#15, %max3A_436 : vector<16xf32>
      %add3A_438 = arith.constant 7 : i32
      %add3A_439 = vector.broadcast %add3A_438 : i32 to vector<16xi32>
      %add3A_440 = arith.addi %mul3A_225, %add3A_439 : vector<16xi32>
      %gather3A_441 = tpu.vector_load_idx %arg19[%add3A_440] : memref<144xf32, #tpu.memory_space<vmem>>[vector<16xi32>], vector<16xf32>,
      %mul3A_442 = arith.mulf %max3A_437, %gather3A_441 : vector<16xf32>
      %add3A_443 = arith.addf %add3A_425, %mul3A_442 : vector<16xf32>
      %mul3A_444 = arith.constant 3 : i32
      %mul3A_445 = vector.broadcast %mul3A_444 : i32 to vector<16xi32>
      %mul3A_446 = arith.muli %add3A_72, %mul3A_445 : vector<16xi32>
      tpu.vector_store_idx %arg21[%mul3A_446], %add3A_434 : memref<1536xf32, #tpu.memory_space<vmem>>[vector<16xi32>], vector<16xf32>,
      %add3A_447 = arith.constant 1 : i32
      %add3A_448 = vector.broadcast %add3A_447 : i32 to vector<16xi32>
      %add3A_449 = arith.addi %mul3A_446, %add3A_448 : vector<16xi32>
      tpu.vector_store_idx %arg21[%add3A_449], %add3A_443 : memref<1536xf32, #tpu.memory_space<vmem>>[vector<16xi32>], vector<16xf32>,
    }
    %scan3A_12 = arith.constant 32 : i32
    %jit3A = arith.constant 2 : i32
    %div3A = vector.broadcast %jit3A : i32 to vector<16xi32>
    %div3A_13 = arith.divsi %iota3A, %div3A : vector<16xi32>
    %sign3A = arith.constant 0 : i32
    %sign3A_14 = vector.broadcast %sign3A : i32 to vector<16xi32>
    %sign3A_15 = arith.cmpi sgt, %iota3A, %sign3A_14 : vector<16xi32>
    %sign3A_16 = arith.extui %sign3A_15 : vector<16xi1> to vector<16xi32>
    %sign3A_17 = arith.constant 0 : i32
    %sign3A_18 = vector.broadcast %sign3A_17 : i32 to vector<16xi32>
    %sign3A_19 = arith.cmpi slt, %iota3A, %sign3A_18 : vector<16xi32>
    %sign3A_20 = arith.extui %sign3A_19 : vector<16xi1> to vector<16xi32>
    %sign3A_21 = arith.subi %sign3A_16, %sign3A_20 : vector<16xi32>
    %sign3A_22 = arith.constant 0 : i32
    %sign3A_23 = arith.cmpi sgt, %jit3A, %sign3A_22 : i32
    %sign3A_24 = arith.extui %sign3A_23 : i1 to i32
    %sign3A_25 = arith.constant 0 : i32
    %sign3A_26 = arith.cmpi slt, %jit3A, %sign3A_25 : i32
    %sign3A_27 = arith.extui %sign3A_26 : i1 to i32
    %sign3A_28 = arith.subi %sign3A_24, %sign3A_27 : i32
    %ne3A = vector.broadcast %sign3A_28 : i32 to vector<16xi32>
    %ne3A_29 = arith.cmpi ne, %sign3A_21, %ne3A : vector<16xi32>
    %rem3A = vector.broadcast %jit3A : i32 to vector<16xi32>
    %rem3A_30 = arith.remsi %iota3A, %rem3A : vector<16xi32>
    %ne3A_31 = arith.constant 0 : i32
    %ne3A_32 = vector.broadcast %ne3A_31 : i32 to vector<16xi32>
    %ne3A_33 = arith.cmpi ne, %rem3A_30, %ne3A_32 : vector<16xi32>
    %and3A = arith.andi %ne3A_29, %ne3A_33 : vector<16xi1>
    %sub3A = arith.constant 1 : i32
    %sub3A_34 = vector.broadcast %sub3A : i32 to vector<16xi32>
    %sub3A_35 = arith.subi %div3A_13, %sub3A_34 : vector<16xi32>
    %select_n3A = arith.select %and3A, %sub3A_35, %div3A_13 : vector<16xi1>, vector<16xi32>
    %mul3A_36 = arith.constant 3 : i32
    %mul3A_37 = vector.broadcast %mul3A_36 : i32 to vector<16xi32>
    %mul3A_38 = arith.muli %select_n3A, %mul3A_37 : vector<16xi32>
    %jit3A_39 = arith.constant 2 : i32
    %eq3A = arith.constant 0 : i32
    %eq3A_40 = arith.cmpi eq, %jit3A_39, %eq3A : i32
    %jit3A_41 = arith.constant 1 : i32
    %select_n3A_42 = arith.select %eq3A_40, %jit3A_41, %jit3A_39 : i32
    %rem3A_43 = vector.broadcast %select_n3A_42 : i32 to vector<16xi32>
    %rem3A_44 = arith.remsi %iota3A, %rem3A_43 : vector<16xi32>
    %ne3A_45 = arith.constant 0 : i32
    %ne3A_46 = vector.broadcast %ne3A_45 : i32 to vector<16xi32>
    %ne3A_47 = arith.cmpi ne, %rem3A_44, %ne3A_46 : vector<16xi32>
    %lt3A = arith.constant 0 : i32
    %lt3A_48 = vector.broadcast %lt3A : i32 to vector<16xi32>
    %lt3A_49 = arith.cmpi slt, %rem3A_44, %lt3A_48 : vector<16xi32>
    %lt3A_50 = arith.constant 0 : i32
    %lt3A_51 = arith.cmpi slt, %select_n3A_42, %lt3A_50 : i32
    %ne3A_52 = vector.broadcast %lt3A_51 : i1 to vector<16xi1>
    %ne3A_53 = vector.broadcast %ne3A_52 : vector<16xi1> to vector<16xi1>
    %ne3A_54 = arith.xori %lt3A_49, %ne3A_53 : vector<16xi1>
    %and3A_55 = arith.andi %ne3A_54, %ne3A_47 : vector<16xi1>
    %add3A_56 = vector.broadcast %select_n3A_42 : i32 to vector<16xi32>
    %add3A_57 = arith.addi %rem3A_44, %add3A_56 : vector<16xi32>
    %select_n3A_58 = arith.select %and3A_55, %add3A_57, %rem3A_44 : vector<16xi1>, vector<16xi32>
    %add3A_59 = arith.addi %mul3A_38, %select_n3A_58 : vector<16xi32>
    %scan3A_60 = arith.constant 0 : i32
    %scan3A_61 = arith.constant 0 : i32
    %scan3A_62 = arith.constant 64 : i32
    %scan3A_63 = arith.addi %scan3A_61, %scan3A_62 : i32
    %scan3A_64 = arith.constant 1 : i32
    scf.for %scan3A_68 = %scan3A_61 to %scan3A_63 step %scan3A_64  : i32 {
      %mul3A_69 = arith.constant 24 : i32
      %mul3A_70 = arith.muli %scan3A_68, %mul3A_69 : i32
      %add3A_71 = vector.broadcast %mul3A_70 : i32 to vector<16xi32>
      %add3A_72 = arith.addi %add3A_71, %add3A_59 : vector<16xi32>
      %gather3A = tpu.vector_load_idx %arg21[%add3A_72] : memref<1536xf32, #tpu.memory_space<vmem>>[vector<16xi32>], vector<16xf32>,
      %mul3A_73 = arith.constant 16 : i32
      %mul3A_74 = arith.muli %scan3A_68, %mul3A_73 : i32
      %swap3A = arith.index_cast %mul3A_74 : i32 to index
      %swap3A_75 = tpu.vector_load %arg22[%swap3A] {strides = array<i32>} : memref<1024xf32, #tpu.memory_space<vmem>>, vector<16xf32>,
      tpu.vector_store %arg22[%swap3A], %gather3A {strides = array<i32>} : memref<1024xf32, #tpu.memory_space<vmem>>, vector<16xf32>,
    }
    %scan3A_65 = arith.constant 64 : i32
    %mul3A_66 = arith.constant 2 : i32
    %mul3A_67 = arith.muli %mul3A_2, %mul3A_66 : i32
    "tpu.region"() ({
      %run_scoped3A = tpu.sem_alloc : memref<!tpu.dma_semaphore, #tpu.memory_space<semaphore_mem>>
      %dma_start3A_68 = tpu.memref_slice %arg11[%mul3A_67] : memref<32768xf32, #tpu.memory_space<hbm>> -> memref<1024xf32, #tpu.memory_space<hbm>>
      %dma_start3A_69 = tpu.memref_slice %arg11[%mul3A_67] : memref<32768xf32, #tpu.memory_space<hbm>> -> memref<1024xf32, #tpu.memory_space<hbm>>
      tpu.enqueue_dma source(%arg22 : memref<1024xf32, #tpu.memory_space<vmem>>) target(%dma_start3A_69 : memref<1024xf32, #tpu.memory_space<hbm>>) target_semaphore(%run_scoped3A : memref<!tpu.dma_semaphore, #tpu.memory_space<semaphore_mem>>)
      %dma_wait3A_70 = tpu.memref_slice %arg11[%mul3A_67] : memref<32768xf32, #tpu.memory_space<hbm>> -> memref<1024xf32, #tpu.memory_space<hbm>>
      %dma_wait3A_71 = tpu.memref_slice %arg11[%mul3A_67] : memref<32768xf32, #tpu.memory_space<hbm>> -> memref<1024xf32, #tpu.memory_space<hbm>>
      tpu.wait_dma2 semaphore(%run_scoped3A : memref<!tpu.dma_semaphore, #tpu.memory_space<semaphore_mem>>) src(%arg22 : memref<1024xf32, #tpu.memory_space<vmem>>) dst(%dma_wait3A_71 : memref<1024xf32, #tpu.memory_space<hbm>>)
      tpu.yield
    }) : () -> ()
    return
  }
}

module attributes {stable_mosaic.version = 14 : i64} {
  func.func @_tc_body(%arg0: i32, %arg1: memref<8192x10xf32, #tpu.memory_space<vmem>>, %arg2: memref<3x10x32xf32, #tpu.memory_space<vmem>>, %arg3: memref<3x32xf32, #tpu.memory_space<vmem>>, %arg4: memref<3x32x16xf32, #tpu.memory_space<vmem>>, %arg5: memref<3x16xf32, #tpu.memory_space<vmem>>, %arg6: memref<3x16x16xf32, #tpu.memory_space<vmem>>, %arg7: memref<3x16xf32, #tpu.memory_space<vmem>>, %arg8: memref<10x32xf32, #tpu.memory_space<vmem>>, %arg9: memref<1x32xf32, #tpu.memory_space<vmem>>, %arg10: memref<8192x16xf32, #tpu.memory_space<vmem>>, %arg11: memref<8192x128xf32, #tpu.memory_space<vmem>>, %arg12: memref<10x128xf32, #tpu.memory_space<vmem>>, %arg13: memref<1x128xf32, #tpu.memory_space<vmem>>, %arg14: memref<128x48xf32, #tpu.memory_space<vmem>>, %arg15: memref<1x48xf32, #tpu.memory_space<vmem>>, %arg16: memref<48x16xf32, #tpu.memory_space<vmem>>) attributes {dimension_semantics = [#tpu.dimension_semantics<arbitrary>], iteration_bounds = array<i64: 2>, scalar_prefetch = 0 : i64, scratch_operands = 5 : i64, tpu.core_type = #tpu.core_type<tc>, window_params = [{transform_indices = @transform_0, window_bounds = array<i64: 8192, 10>}, {pipeline_mode = #tpu.pipeline_mode<synchronous>, transform_indices = @transform_1, window_bounds = array<i64: 3, 10, 32>}, {pipeline_mode = #tpu.pipeline_mode<synchronous>, transform_indices = @transform_2, window_bounds = array<i64: 3, 32>}, {pipeline_mode = #tpu.pipeline_mode<synchronous>, transform_indices = @transform_3, window_bounds = array<i64: 3, 32, 16>}, {pipeline_mode = #tpu.pipeline_mode<synchronous>, transform_indices = @transform_4, window_bounds = array<i64: 3, 16>}, {pipeline_mode = #tpu.pipeline_mode<synchronous>, transform_indices = @transform_5, window_bounds = array<i64: 3, 16, 16>}, {pipeline_mode = #tpu.pipeline_mode<synchronous>, transform_indices = @transform_6, window_bounds = array<i64: 3, 16>}, {pipeline_mode = #tpu.pipeline_mode<synchronous>, transform_indices = @transform_7, window_bounds = array<i64: 10, 32>}, {pipeline_mode = #tpu.pipeline_mode<synchronous>, transform_indices = @transform_8, window_bounds = array<i64: 1, 32>}, {transform_indices = @transform_9, window_bounds = array<i64: 8192, 16>}, {transform_indices = @transform_10, window_bounds = array<i64: 8192, 128>}]} {
    %eq3A = arith.constant 0 : i32
    %eq3A_0 = arith.cmpi eq, %arg0, %eq3A : i32
    %convert_element_type3A = arith.extui %eq3A_0 : i1 to i32
    %cond3A = arith.constant 0 : i32
    %cond3A_1 = arith.cmpi ne, %convert_element_type3A, %cond3A : i32
    scf.if %cond3A_1 {
      %broadcast_in_dim3A_80 = arith.constant 0.000000e+00 : f32
      %broadcast_in_dim3A_81 = vector.broadcast %broadcast_in_dim3A_80 : f32 to vector<128x48xf32>
      %swap3A_82 = arith.constant 0 : index
      %swap3A_83 = arith.constant 0 : index
      %swap3A_84 = vector.load %arg14[%swap3A_82, %swap3A_83] : memref<128x48xf32, #tpu.memory_space<vmem>>, vector<128x48xf32>
      tpu.vector_store %arg14[%swap3A_82, %swap3A_83], %broadcast_in_dim3A_81 {strides = array<i32>} : memref<128x48xf32, #tpu.memory_space<vmem>>, vector<128x48xf32>,
      %get3A_85 = arith.constant 0 : index
      %get3A_86 = arith.constant 0 : index
      %get3A_87 = arith.constant 0 : index
      %get3A_88 = vector.load %arg2[%get3A_85, %get3A_86, %get3A_87] : memref<3x10x32xf32, #tpu.memory_space<vmem>>, vector<1x10x32xf32>
      %get3A_89 = vector.shape_cast %get3A_88 : vector<1x10x32xf32> to vector<10x32xf32>
      %swap3A_90 = arith.constant 0 : index
      %swap3A_91 = arith.constant 0 : index
      %swap3A_92 = vector.load %arg12[%swap3A_90, %swap3A_91] : memref<10x128xf32, #tpu.memory_space<vmem>>, vector<10x32xf32>
      tpu.vector_store %arg12[%swap3A_90, %swap3A_91], %get3A_89 {strides = array<i32>} : memref<10x128xf32, #tpu.memory_space<vmem>>, vector<10x32xf32>,
      %get3A_93 = arith.constant 0 : index
      %get3A_94 = arith.constant 0 : index
      %get3A_95 = vector.load %arg3[%get3A_93, %get3A_94] : memref<3x32xf32, #tpu.memory_space<vmem>>, vector<1x32xf32>
      %get3A_96 = vector.shape_cast %get3A_95 : vector<1x32xf32> to vector<32xf32>
      %broadcast_in_dim3A_97 = vector.shape_cast %get3A_96 : vector<32xf32> to vector<1x32xf32>
      %swap3A_98 = arith.constant 0 : index
      %swap3A_99 = arith.constant 0 : index
      %swap3A_100 = vector.load %arg13[%swap3A_98, %swap3A_99] : memref<1x128xf32, #tpu.memory_space<vmem>>, vector<1x32xf32>
      tpu.vector_store %arg13[%swap3A_98, %swap3A_99], %broadcast_in_dim3A_97 {strides = array<i32>} : memref<1x128xf32, #tpu.memory_space<vmem>>, vector<1x32xf32>,
      %get3A_101 = arith.constant 0 : index
      %get3A_102 = arith.constant 0 : index
      %get3A_103 = arith.constant 0 : index
      %get3A_104 = vector.load %arg4[%get3A_101, %get3A_102, %get3A_103] : memref<3x32x16xf32, #tpu.memory_space<vmem>>, vector<1x32x16xf32>
      %get3A_105 = vector.shape_cast %get3A_104 : vector<1x32x16xf32> to vector<32x16xf32>
      %swap3A_106 = arith.constant 0 : index
      %swap3A_107 = arith.constant 0 : index
      %swap3A_108 = vector.load %arg14[%swap3A_106, %swap3A_107] : memref<128x48xf32, #tpu.memory_space<vmem>>, vector<32x16xf32>
      tpu.vector_store %arg14[%swap3A_106, %swap3A_107], %get3A_105 {strides = array<i32>} : memref<128x48xf32, #tpu.memory_space<vmem>>, vector<32x16xf32>,
      %get3A_109 = arith.constant 0 : index
      %get3A_110 = arith.constant 0 : index
      %get3A_111 = vector.load %arg5[%get3A_109, %get3A_110] : memref<3x16xf32, #tpu.memory_space<vmem>>, vector<1x16xf32>
      %get3A_112 = vector.shape_cast %get3A_111 : vector<1x16xf32> to vector<16xf32>
      %broadcast_in_dim3A_113 = vector.shape_cast %get3A_112 : vector<16xf32> to vector<1x16xf32>
      %swap3A_114 = arith.constant 0 : index
      %swap3A_115 = arith.constant 0 : index
      %swap3A_116 = vector.load %arg15[%swap3A_114, %swap3A_115] : memref<1x48xf32, #tpu.memory_space<vmem>>, vector<1x16xf32>
      tpu.vector_store %arg15[%swap3A_114, %swap3A_115], %broadcast_in_dim3A_113 {strides = array<i32>} : memref<1x48xf32, #tpu.memory_space<vmem>>, vector<1x16xf32>,
      %get3A_117 = arith.constant 0 : index
      %get3A_118 = arith.constant 0 : index
      %get3A_119 = arith.constant 0 : index
      %get3A_120 = vector.load %arg6[%get3A_117, %get3A_118, %get3A_119] : memref<3x16x16xf32, #tpu.memory_space<vmem>>, vector<1x16x16xf32>
      %get3A_121 = vector.shape_cast %get3A_120 : vector<1x16x16xf32> to vector<16x16xf32>
      %swap3A_122 = arith.constant 0 : index
      %swap3A_123 = arith.constant 0 : index
      %swap3A_124 = vector.load %arg16[%swap3A_122, %swap3A_123] : memref<48x16xf32, #tpu.memory_space<vmem>>, vector<16x16xf32>
      tpu.vector_store %arg16[%swap3A_122, %swap3A_123], %get3A_121 {strides = array<i32>} : memref<48x16xf32, #tpu.memory_space<vmem>>, vector<16x16xf32>,
      %get3A_125 = arith.constant 1 : index
      %get3A_126 = arith.constant 0 : index
      %get3A_127 = arith.constant 0 : index
      %get3A_128 = vector.load %arg2[%get3A_125, %get3A_126, %get3A_127] : memref<3x10x32xf32, #tpu.memory_space<vmem>>, vector<1x10x32xf32>
      %get3A_129 = vector.shape_cast %get3A_128 : vector<1x10x32xf32> to vector<10x32xf32>
      %swap3A_130 = arith.constant 0 : index
      %swap3A_131 = arith.constant 32 : index
      %swap3A_132 = vector.load %arg12[%swap3A_130, %swap3A_131] : memref<10x128xf32, #tpu.memory_space<vmem>>, vector<10x32xf32>
      tpu.vector_store %arg12[%swap3A_130, %swap3A_131], %get3A_129 {strides = array<i32>} : memref<10x128xf32, #tpu.memory_space<vmem>>, vector<10x32xf32>,
      %get3A_133 = arith.constant 1 : index
      %get3A_134 = arith.constant 0 : index
      %get3A_135 = vector.load %arg3[%get3A_133, %get3A_134] : memref<3x32xf32, #tpu.memory_space<vmem>>, vector<1x32xf32>
      %get3A_136 = vector.shape_cast %get3A_135 : vector<1x32xf32> to vector<32xf32>
      %broadcast_in_dim3A_137 = vector.shape_cast %get3A_136 : vector<32xf32> to vector<1x32xf32>
      %swap3A_138 = arith.constant 0 : index
      %swap3A_139 = arith.constant 32 : index
      %swap3A_140 = vector.load %arg13[%swap3A_138, %swap3A_139] : memref<1x128xf32, #tpu.memory_space<vmem>>, vector<1x32xf32>
      tpu.vector_store %arg13[%swap3A_138, %swap3A_139], %broadcast_in_dim3A_137 {strides = array<i32>} : memref<1x128xf32, #tpu.memory_space<vmem>>, vector<1x32xf32>,
      %get3A_141 = arith.constant 1 : index
      %get3A_142 = arith.constant 0 : index
      %get3A_143 = arith.constant 0 : index
      %get3A_144 = vector.load %arg4[%get3A_141, %get3A_142, %get3A_143] : memref<3x32x16xf32, #tpu.memory_space<vmem>>, vector<1x32x16xf32>
      %get3A_145 = vector.shape_cast %get3A_144 : vector<1x32x16xf32> to vector<32x16xf32>
      %swap3A_146 = arith.constant 32 : index
      %swap3A_147 = arith.constant 16 : index
      %swap3A_148 = vector.load %arg14[%swap3A_146, %swap3A_147] : memref<128x48xf32, #tpu.memory_space<vmem>>, vector<32x16xf32>
      tpu.vector_store %arg14[%swap3A_146, %swap3A_147], %get3A_145 {strides = array<i32>} : memref<128x48xf32, #tpu.memory_space<vmem>>, vector<32x16xf32>,
      %get3A_149 = arith.constant 1 : index
      %get3A_150 = arith.constant 0 : index
      %get3A_151 = vector.load %arg5[%get3A_149, %get3A_150] : memref<3x16xf32, #tpu.memory_space<vmem>>, vector<1x16xf32>
      %get3A_152 = vector.shape_cast %get3A_151 : vector<1x16xf32> to vector<16xf32>
      %broadcast_in_dim3A_153 = vector.shape_cast %get3A_152 : vector<16xf32> to vector<1x16xf32>
      %swap3A_154 = arith.constant 0 : index
      %swap3A_155 = arith.constant 16 : index
      %swap3A_156 = vector.load %arg15[%swap3A_154, %swap3A_155] : memref<1x48xf32, #tpu.memory_space<vmem>>, vector<1x16xf32>
      tpu.vector_store %arg15[%swap3A_154, %swap3A_155], %broadcast_in_dim3A_153 {strides = array<i32>} : memref<1x48xf32, #tpu.memory_space<vmem>>, vector<1x16xf32>,
      %get3A_157 = arith.constant 1 : index
      %get3A_158 = arith.constant 0 : index
      %get3A_159 = arith.constant 0 : index
      %get3A_160 = vector.load %arg6[%get3A_157, %get3A_158, %get3A_159] : memref<3x16x16xf32, #tpu.memory_space<vmem>>, vector<1x16x16xf32>
      %get3A_161 = vector.shape_cast %get3A_160 : vector<1x16x16xf32> to vector<16x16xf32>
      %swap3A_162 = arith.constant 16 : index
      %swap3A_163 = arith.constant 0 : index
      %swap3A_164 = vector.load %arg16[%swap3A_162, %swap3A_163] : memref<48x16xf32, #tpu.memory_space<vmem>>, vector<16x16xf32>
      tpu.vector_store %arg16[%swap3A_162, %swap3A_163], %get3A_161 {strides = array<i32>} : memref<48x16xf32, #tpu.memory_space<vmem>>, vector<16x16xf32>,
      %get3A_165 = arith.constant 2 : index
      %get3A_166 = arith.constant 0 : index
      %get3A_167 = arith.constant 0 : index
      %get3A_168 = vector.load %arg2[%get3A_165, %get3A_166, %get3A_167] : memref<3x10x32xf32, #tpu.memory_space<vmem>>, vector<1x10x32xf32>
      %get3A_169 = vector.shape_cast %get3A_168 : vector<1x10x32xf32> to vector<10x32xf32>
      %swap3A_170 = arith.constant 0 : index
      %swap3A_171 = arith.constant 64 : index
      %swap3A_172 = vector.load %arg12[%swap3A_170, %swap3A_171] : memref<10x128xf32, #tpu.memory_space<vmem>>, vector<10x32xf32>
      tpu.vector_store %arg12[%swap3A_170, %swap3A_171], %get3A_169 {strides = array<i32>} : memref<10x128xf32, #tpu.memory_space<vmem>>, vector<10x32xf32>,
      %get3A_173 = arith.constant 2 : index
      %get3A_174 = arith.constant 0 : index
      %get3A_175 = vector.load %arg3[%get3A_173, %get3A_174] : memref<3x32xf32, #tpu.memory_space<vmem>>, vector<1x32xf32>
      %get3A_176 = vector.shape_cast %get3A_175 : vector<1x32xf32> to vector<32xf32>
      %broadcast_in_dim3A_177 = vector.shape_cast %get3A_176 : vector<32xf32> to vector<1x32xf32>
      %swap3A_178 = arith.constant 0 : index
      %swap3A_179 = arith.constant 64 : index
      %swap3A_180 = vector.load %arg13[%swap3A_178, %swap3A_179] : memref<1x128xf32, #tpu.memory_space<vmem>>, vector<1x32xf32>
      tpu.vector_store %arg13[%swap3A_178, %swap3A_179], %broadcast_in_dim3A_177 {strides = array<i32>} : memref<1x128xf32, #tpu.memory_space<vmem>>, vector<1x32xf32>,
      %get3A_181 = arith.constant 2 : index
      %get3A_182 = arith.constant 0 : index
      %get3A_183 = arith.constant 0 : index
      %get3A_184 = vector.load %arg4[%get3A_181, %get3A_182, %get3A_183] : memref<3x32x16xf32, #tpu.memory_space<vmem>>, vector<1x32x16xf32>
      %get3A_185 = vector.shape_cast %get3A_184 : vector<1x32x16xf32> to vector<32x16xf32>
      %swap3A_186 = arith.constant 64 : index
      %swap3A_187 = arith.constant 32 : index
      %swap3A_188 = vector.load %arg14[%swap3A_186, %swap3A_187] : memref<128x48xf32, #tpu.memory_space<vmem>>, vector<32x16xf32>
      tpu.vector_store %arg14[%swap3A_186, %swap3A_187], %get3A_185 {strides = array<i32>} : memref<128x48xf32, #tpu.memory_space<vmem>>, vector<32x16xf32>,
      %get3A_189 = arith.constant 2 : index
      %get3A_190 = arith.constant 0 : index
      %get3A_191 = vector.load %arg5[%get3A_189, %get3A_190] : memref<3x16xf32, #tpu.memory_space<vmem>>, vector<1x16xf32>
      %get3A_192 = vector.shape_cast %get3A_191 : vector<1x16xf32> to vector<16xf32>
      %broadcast_in_dim3A_193 = vector.shape_cast %get3A_192 : vector<16xf32> to vector<1x16xf32>
      %swap3A_194 = arith.constant 0 : index
      %swap3A_195 = arith.constant 32 : index
      %swap3A_196 = vector.load %arg15[%swap3A_194, %swap3A_195] : memref<1x48xf32, #tpu.memory_space<vmem>>, vector<1x16xf32>
      tpu.vector_store %arg15[%swap3A_194, %swap3A_195], %broadcast_in_dim3A_193 {strides = array<i32>} : memref<1x48xf32, #tpu.memory_space<vmem>>, vector<1x16xf32>,
      %get3A_197 = arith.constant 2 : index
      %get3A_198 = arith.constant 0 : index
      %get3A_199 = arith.constant 0 : index
      %get3A_200 = vector.load %arg6[%get3A_197, %get3A_198, %get3A_199] : memref<3x16x16xf32, #tpu.memory_space<vmem>>, vector<1x16x16xf32>
      %get3A_201 = vector.shape_cast %get3A_200 : vector<1x16x16xf32> to vector<16x16xf32>
      %swap3A_202 = arith.constant 32 : index
      %swap3A_203 = arith.constant 0 : index
      %swap3A_204 = vector.load %arg16[%swap3A_202, %swap3A_203] : memref<48x16xf32, #tpu.memory_space<vmem>>, vector<16x16xf32>
      tpu.vector_store %arg16[%swap3A_202, %swap3A_203], %get3A_201 {strides = array<i32>} : memref<48x16xf32, #tpu.memory_space<vmem>>, vector<16x16xf32>,
      %get3A_205 = arith.constant 0 : index
      %get3A_206 = arith.constant 0 : index
      %get3A_207 = vector.load %arg8[%get3A_205, %get3A_206] : memref<10x32xf32, #tpu.memory_space<vmem>>, vector<10x32xf32>
      %swap3A_208 = arith.constant 0 : index
      %swap3A_209 = arith.constant 96 : index
      %swap3A_210 = vector.load %arg12[%swap3A_208, %swap3A_209] : memref<10x128xf32, #tpu.memory_space<vmem>>, vector<10x32xf32>
      tpu.vector_store %arg12[%swap3A_208, %swap3A_209], %get3A_207 {strides = array<i32>} : memref<10x128xf32, #tpu.memory_space<vmem>>, vector<10x32xf32>,
      %get3A_211 = arith.constant 0 : index
      %get3A_212 = arith.constant 0 : index
      %get3A_213 = vector.load %arg9[%get3A_211, %get3A_212] : memref<1x32xf32, #tpu.memory_space<vmem>>, vector<1x32xf32>
      %swap3A_214 = arith.constant 0 : index
      %swap3A_215 = arith.constant 96 : index
      %swap3A_216 = vector.load %arg13[%swap3A_214, %swap3A_215] : memref<1x128xf32, #tpu.memory_space<vmem>>, vector<1x32xf32>
      tpu.vector_store %arg13[%swap3A_214, %swap3A_215], %get3A_213 {strides = array<i32>} : memref<1x128xf32, #tpu.memory_space<vmem>>, vector<1x32xf32>,
    } else {
    }
    %get3A = arith.constant 0 : index
    %get3A_2 = arith.constant 0 : index
    %get3A_3 = vector.load %arg1[%get3A, %get3A_2] : memref<8192x10xf32, #tpu.memory_space<vmem>>, vector<8192x10xf32>
    %slice3A = vector.extract_strided_slice %get3A_3 {offsets = [0, 8], sizes = [8192, 1], strides = [1, 1]} : vector<8192x10xf32> to vector<8192x1xf32>
    %convert_element_type3A_4 = arith.fptosi %slice3A : vector<8192x1xf32> to vector<8192x1xi32>
    %get3A_5 = arith.constant 0 : index
    %get3A_6 = arith.constant 0 : index
    %get3A_7 = vector.load %arg12[%get3A_5, %get3A_6] : memref<10x128xf32, #tpu.memory_space<vmem>>, vector<10x128xf32>
    %dot_general3A = arith.constant dense<0.000000e+00> : vector<8192x128xf32>
    %dot_general3A_8 = tpu.matmul %get3A_3, %get3A_7, %dot_general3A {dimension_numbers = #tpu.dot_dimension_numbers<[1], [0], [0], [1], [0, 0, 1, 1], [], []>, transpose_lhs_hint = false} : vector<8192x10xf32>, vector<10x128xf32>, vector<8192x128xf32> -> vector<8192x128xf32>
    %get3A_9 = arith.constant 0 : index
    %get3A_10 = arith.constant 0 : index
    %get3A_11 = vector.load %arg13[%get3A_9, %get3A_10] : memref<1x128xf32, #tpu.memory_space<vmem>>, vector<1x128xf32>
    %add3A = vector.broadcast %get3A_11 : vector<1x128xf32> to vector<8192x128xf32>
    %add3A_12 = arith.addf %dot_general3A_8, %add3A : vector<8192x128xf32>
    %max3A = arith.constant 0.000000e+00 : f32
    %max3A_13 = vector.broadcast %max3A : f32 to vector<8192x128xf32>
    %max3A_14 = arith.maximumf %add3A_12, %max3A_13 : vector<8192x128xf32>
    %get3A_15 = arith.constant 0 : index
    %get3A_16 = arith.constant 0 : index
    %get3A_17 = vector.load %arg14[%get3A_15, %get3A_16] : memref<128x48xf32, #tpu.memory_space<vmem>>, vector<128x48xf32>
    %dot_general3A_18 = arith.constant dense<0.000000e+00> : vector<8192x48xf32>
    %dot_general3A_19 = tpu.matmul %max3A_14, %get3A_17, %dot_general3A_18 {dimension_numbers = #tpu.dot_dimension_numbers<[1], [0], [0], [1], [0, 0, 1, 1], [], []>, transpose_lhs_hint = false} : vector<8192x128xf32>, vector<128x48xf32>, vector<8192x48xf32> -> vector<8192x48xf32>
    %get3A_20 = arith.constant 0 : index
    %get3A_21 = arith.constant 0 : index
    %get3A_22 = vector.load %arg15[%get3A_20, %get3A_21] : memref<1x48xf32, #tpu.memory_space<vmem>>, vector<1x48xf32>
    %add3A_23 = vector.broadcast %get3A_22 : vector<1x48xf32> to vector<8192x48xf32>
    %add3A_24 = arith.addf %dot_general3A_19, %add3A_23 : vector<8192x48xf32>
    %max3A_25 = arith.constant 0.000000e+00 : f32
    %max3A_26 = vector.broadcast %max3A_25 : f32 to vector<8192x48xf32>
    %max3A_27 = arith.maximumf %add3A_24, %max3A_26 : vector<8192x48xf32>
    %iota3A = tpu.iota {dimensions = array<i32: 1>} : vector<8192x48xi32>
    %jit3A = arith.constant 16 : i32
    %div3A = vector.broadcast %jit3A : i32 to vector<8192x48xi32>
    %div3A_28 = arith.divsi %iota3A, %div3A : vector<8192x48xi32>
    %sign3A = arith.constant 0 : i32
    %sign3A_29 = vector.broadcast %sign3A : i32 to vector<8192x48xi32>
    %sign3A_30 = arith.cmpi sgt, %iota3A, %sign3A_29 : vector<8192x48xi32>
    %sign3A_31 = arith.extui %sign3A_30 : vector<8192x48xi1> to vector<8192x48xi32>
    %sign3A_32 = arith.constant 0 : i32
    %sign3A_33 = vector.broadcast %sign3A_32 : i32 to vector<8192x48xi32>
    %sign3A_34 = arith.cmpi slt, %iota3A, %sign3A_33 : vector<8192x48xi32>
    %sign3A_35 = arith.extui %sign3A_34 : vector<8192x48xi1> to vector<8192x48xi32>
    %sign3A_36 = arith.subi %sign3A_31, %sign3A_35 : vector<8192x48xi32>
    %sign3A_37 = arith.constant 0 : i32
    %sign3A_38 = arith.cmpi sgt, %jit3A, %sign3A_37 : i32
    %sign3A_39 = arith.extui %sign3A_38 : i1 to i32
    %sign3A_40 = arith.constant 0 : i32
    %sign3A_41 = arith.cmpi slt, %jit3A, %sign3A_40 : i32
    %sign3A_42 = arith.extui %sign3A_41 : i1 to i32
    %sign3A_43 = arith.subi %sign3A_39, %sign3A_42 : i32
    %ne3A = vector.broadcast %sign3A_43 : i32 to vector<8192x48xi32>
    %ne3A_44 = arith.cmpi ne, %sign3A_36, %ne3A : vector<8192x48xi32>
    %rem3A = vector.broadcast %jit3A : i32 to vector<8192x48xi32>
    %rem3A_45 = arith.remsi %iota3A, %rem3A : vector<8192x48xi32>
    %ne3A_46 = arith.constant 0 : i32
    %ne3A_47 = vector.broadcast %ne3A_46 : i32 to vector<8192x48xi32>
    %ne3A_48 = arith.cmpi ne, %rem3A_45, %ne3A_47 : vector<8192x48xi32>
    %and3A = arith.andi %ne3A_44, %ne3A_48 : vector<8192x48xi1>
    %sub3A = arith.constant 1 : i32
    %sub3A_49 = vector.broadcast %sub3A : i32 to vector<8192x48xi32>
    %sub3A_50 = arith.subi %div3A_28, %sub3A_49 : vector<8192x48xi32>
    %select_n3A = arith.select %and3A, %sub3A_50, %div3A_28 : vector<8192x48xi1>, vector<8192x48xi32>
    %eq3A_51 = vector.broadcast %convert_element_type3A_4 : vector<8192x1xi32> to vector<8192x48xi32>
    %eq3A_52 = arith.cmpi eq, %select_n3A, %eq3A_51 : vector<8192x48xi32>
    %jit3A_53 = arith.constant 0.000000e+00 : f32
    %broadcast_in_dim3A = vector.broadcast %jit3A_53 : f32 to vector<8192x48xf32>
    %select_n3A_54 = arith.select %eq3A_52, %max3A_27, %broadcast_in_dim3A : vector<8192x48xi1>, vector<8192x48xf32>
    %iota3A_55 = tpu.iota {dimensions = array<i32: 1>} : vector<8192x3xi32>
    %eq3A_56 = vector.broadcast %convert_element_type3A_4 : vector<8192x1xi32> to vector<8192x3xi32>
    %eq3A_57 = arith.cmpi eq, %iota3A_55, %eq3A_56 : vector<8192x3xi32>
    %convert_element_type3A_58 = arith.extui %eq3A_57 : vector<8192x3xi1> to vector<8192x3xi32>
    %convert_element_type3A_59 = arith.sitofp %convert_element_type3A_58 : vector<8192x3xi32> to vector<8192x3xf32>
    %get3A_60 = arith.constant 0 : index
    %get3A_61 = arith.constant 0 : index
    %get3A_62 = vector.load %arg16[%get3A_60, %get3A_61] : memref<48x16xf32, #tpu.memory_space<vmem>>, vector<48x16xf32>
    %dot_general3A_63 = arith.constant dense<0.000000e+00> : vector<8192x16xf32>
    %dot_general3A_64 = tpu.matmul %select_n3A_54, %get3A_62, %dot_general3A_63 {dimension_numbers = #tpu.dot_dimension_numbers<[1], [0], [0], [1], [0, 0, 1, 1], [], []>, transpose_lhs_hint = false} : vector<8192x48xf32>, vector<48x16xf32>, vector<8192x16xf32> -> vector<8192x16xf32>
    %get3A_65 = arith.constant 0 : index
    %get3A_66 = arith.constant 0 : index
    %get3A_67 = vector.load %arg7[%get3A_65, %get3A_66] : memref<3x16xf32, #tpu.memory_space<vmem>>, vector<3x16xf32>
    %dot_general3A_68 = arith.constant dense<0.000000e+00> : vector<8192x16xf32>
    %dot_general3A_69 = tpu.matmul %convert_element_type3A_59, %get3A_67, %dot_general3A_68 {dimension_numbers = #tpu.dot_dimension_numbers<[1], [0], [0], [1], [0, 0, 1, 1], [], []>, transpose_lhs_hint = false} : vector<8192x3xf32>, vector<3x16xf32>, vector<8192x16xf32> -> vector<8192x16xf32>
    %add3A_70 = arith.addf %dot_general3A_64, %dot_general3A_69 : vector<8192x16xf32>
    %swap3A = arith.constant 0 : index
    %swap3A_71 = arith.constant 0 : index
    %swap3A_72 = vector.load %arg10[%swap3A, %swap3A_71] : memref<8192x16xf32, #tpu.memory_space<vmem>>, vector<8192x16xf32>
    tpu.vector_store %arg10[%swap3A, %swap3A_71], %add3A_70 {strides = array<i32>} : memref<8192x16xf32, #tpu.memory_space<vmem>>, vector<8192x16xf32>,
    %swap3A_73 = arith.constant 0 : index
    %swap3A_74 = arith.constant 0 : index
    %swap3A_75 = vector.load %arg11[%swap3A_73, %swap3A_74] : memref<8192x128xf32, #tpu.memory_space<vmem>>, vector<8192x16xf32>
    tpu.vector_store %arg11[%swap3A_73, %swap3A_74], %add3A_70 {strides = array<i32>} : memref<8192x128xf32, #tpu.memory_space<vmem>>, vector<8192x16xf32>,
    %slice3A_76 = vector.extract_strided_slice %max3A_14 {offsets = [0, 96], sizes = [8192, 32], strides = [1, 1]} : vector<8192x128xf32> to vector<8192x32xf32>
    %swap3A_77 = arith.constant 0 : index
    %swap3A_78 = arith.constant 16 : index
    %swap3A_79 = vector.load %arg11[%swap3A_77, %swap3A_78] : memref<8192x128xf32, #tpu.memory_space<vmem>>, vector<8192x32xf32>
    tpu.vector_store %arg11[%swap3A_77, %swap3A_78], %slice3A_76 {strides = array<i32>} : memref<8192x128xf32, #tpu.memory_space<vmem>>, vector<8192x32xf32>,
    return
  }
  func.func @transform_0(%arg0: i32) -> (i32, i32) {
    %c0_i32 = arith.constant 0 : i32
    %c0_i32_0 = arith.constant 0 : i32
    return %arg0, %c0_i32 : i32, i32
  }
  func.func @transform_1(%arg0: i32) -> (i32, i32, i32) {
    %c0_i32 = arith.constant 0 : i32
    %c0_i32_0 = arith.constant 0 : i32
    %c0_i32_1 = arith.constant 0 : i32
    %c0_i32_2 = arith.constant 0 : i32
    return %c0_i32, %c0_i32_0, %c0_i32_1 : i32, i32, i32
  }
  func.func @transform_2(%arg0: i32) -> (i32, i32) {
    %c0_i32 = arith.constant 0 : i32
    %c0_i32_0 = arith.constant 0 : i32
    %c0_i32_1 = arith.constant 0 : i32
    return %c0_i32, %c0_i32_0 : i32, i32
  }
  func.func @transform_3(%arg0: i32) -> (i32, i32, i32) {
    %c0_i32 = arith.constant 0 : i32
    %c0_i32_0 = arith.constant 0 : i32
    %c0_i32_1 = arith.constant 0 : i32
    %c0_i32_2 = arith.constant 0 : i32
    return %c0_i32, %c0_i32_0, %c0_i32_1 : i32, i32, i32
  }
  func.func @transform_4(%arg0: i32) -> (i32, i32) {
    %c0_i32 = arith.constant 0 : i32
    %c0_i32_0 = arith.constant 0 : i32
    %c0_i32_1 = arith.constant 0 : i32
    return %c0_i32, %c0_i32_0 : i32, i32
  }
  func.func @transform_5(%arg0: i32) -> (i32, i32, i32) {
    %c0_i32 = arith.constant 0 : i32
    %c0_i32_0 = arith.constant 0 : i32
    %c0_i32_1 = arith.constant 0 : i32
    %c0_i32_2 = arith.constant 0 : i32
    return %c0_i32, %c0_i32_0, %c0_i32_1 : i32, i32, i32
  }
  func.func @transform_6(%arg0: i32) -> (i32, i32) {
    %c0_i32 = arith.constant 0 : i32
    %c0_i32_0 = arith.constant 0 : i32
    %c0_i32_1 = arith.constant 0 : i32
    return %c0_i32, %c0_i32_0 : i32, i32
  }
  func.func @transform_7(%arg0: i32) -> (i32, i32) {
    %c0_i32 = arith.constant 0 : i32
    %c0_i32_0 = arith.constant 0 : i32
    %c0_i32_1 = arith.constant 0 : i32
    return %c0_i32, %c0_i32_0 : i32, i32
  }
  func.func @transform_8(%arg0: i32) -> (i32, i32) {
    %c0_i32 = arith.constant 0 : i32
    %c0_i32_0 = arith.constant 0 : i32
    %c0_i32_1 = arith.constant 0 : i32
    return %c0_i32, %c0_i32_0 : i32, i32
  }
  func.func @transform_9(%arg0: i32) -> (i32, i32) {
    %c0_i32 = arith.constant 0 : i32
    %c0_i32_0 = arith.constant 0 : i32
    return %arg0, %c0_i32 : i32, i32
  }
  func.func @transform_10(%arg0: i32) -> (i32, i32) {
    %c0_i32 = arith.constant 0 : i32
    %c0_i32_0 = arith.constant 0 : i32
    return %arg0, %c0_i32 : i32, i32
  }
}

</mosaic_0001>

<sc_bundles>
// kernel: kernel.4.cloned.1.call-start
scs
__scs_entry_jumppad:
0x0: {  	(pc) =	sbr.rel $0x88, $3  }
0x1: {  	(tag) =	ssettag $0x0;
	lr =	simm.s32 $0x1  }
0x2: {  	[smem:$0x3F90] =	sst lr;
	_ =	strace $0xD0000000  }
0x3: {  	_ = 	snop  }
0x4: {  	_ = 	snop  }
0x5: {  	_ = 	snop  }
0x6: {  	_ = 	snop  }
0x7: {  	_ = 	snop  }
__scs_overlays_trampoline_lowered:
0x8: {  	[smem:$0x3F9F] =	sst s0  }
0x9: {  	[smem:$0x3FA0] =	sst s1  }
0xa: {  	[smem:$0x3FA1] =	sst s2  }
0xb: {  	[smem:$0x3FA2] =	sst s3  }
0xc: {  	[smem:$0x3FA3] =	sst s4  }
0xd: {  	[smem:$0x3FA4] =	sst s5  }
0xe: {  	[smem:$0x3FA5] =	sst s6  }
0xf: {  	[smem:$0x3FA6] =	sst s7  }
0x10: {  	[smem:$0x3FA7] =	sst s8  }
0x11: {  	[smem:$0x3FA8] =	sst s9;
	s0 =	simm.s32 @!p0 $0x0  }
0x12: {  	s1 =	sld [smem:$0x3F8E];
	s0 =	simm.s32 @p0 $0x1  }
0x13: {  	[smem:$0x3FA9] =	sst s0;
	s0 =	simm.s32 @!p1 $0x0  }
0x14: {  	s2 =	sld [smem:$0x3F8D];
	s0 =	simm.s32 @p1 $0x1  }
0x15: {  	[smem:$0x3FAA] =	sst s0;
	s0 =	simm.s32 @!p2 $0x0  }
0x16: {  	s3 =	sld [smem:$0x3FDB];
	s0 =	simm.s32 @p2 $0x1  }
0x17: {  	s4 =	simm.s32 $0x1BF5;
	[smem:$0x3FAC] =	sst s0  }
0x18: {  	s0 =	sld [smem:$0x3F8F];
	_ =	swait.ge [sflag:s4], $0x0  }
0x19: {  	s7 =	sld [smem:$0x3F90]  }
0x1a: {  	s8 =	sadd.s32 $0xFFFFE003, lr  }
0x1b: {  	s9 =	sadd.s32 $0xFFFFFEF7, lr;
	s5 =	simm.s32 $0xFFFFFFFF;
	p2 =	slt.u32 s8, $0xFFFFF086  }
0x1c: {  	p1 =	slt.u32 s9, $0xF7A;
	s5 =	simm.s32 @!p2 $0x0  }
0x1d: {  	s5 =	simm.s32 @p1 $0x1;
	p0 =	seq.s32 s7, s2  }
0x1e: {  	s7 =	smul.u32 @!p0 $0xF7A, s2;
	p2 =	seq.s32 @!p0 s5, $0x0  }
0x1f: {  	s9 =	smul.u32 $0xF7A, s1;
	s8 =	simm.s32 @!p0 $0x1BF5;
	p2 =	por !p2, p0  }
0x20: {  	[sflag:s8] =	ssyncset.s32 @!p0 $0xFFFFF086;
	s6 =	sadd.s32 @!p0 s3, s7;
	s7 =	simm.s32 @!p0 $0x108  }
0x21: {  	s3 =	sadd.s32 s3, s9;
	s6 =	sadd.s32 @!p0 $0x88, s6;
	s7 =	simm.s32 @p2 $0x1082  }
0x22: {  	[simem:s7], [sflag:s8] =	dma.local @!p0 [hbm:s6], $0xF7A  }
0x23: {  	s9 =	sor.u32 $0xD0000000, s2;
	s6 =	simm.s32 $0x108;
	_ =	swait.ge @!p0 [sflag:s8], $0x0  }
0x24: {  	s3 =	sadd.s32 $0x88, s3;
	s6 =	simm.s32 @!p1 $0x1082;
	[sflag:s4] =	ssyncset.s32 $0xFFFFF086  }
0x25: {  	[simem:s6], [sflag:s4] =	dma.local [hbm:s3], $0xF7A  }
0x26: {  	[smem:$0x3F90] =	sst s1;
	(tag) =	ssettag s2;
	_ =	strace s9  }
0x27: {  	s1 =	sld [smem:$0x3FA0]  }
0x28: {  	s2 =	sld [smem:$0x3FA1]  }
0x29: {  	s4 =	sld [smem:$0x3FA3]  }
0x2a: {  	p0 =	seq.s32 s5, $0x0;
	s5 =	sld [smem:$0x3FA4]  }
0x2b: {  	s6 =	sld [smem:$0x3FA5]  }
0x2c: {  	s7 =	sld [smem:$0x3FA6]  }
0x2d: {  	s3 =	simm.s32 $0x108;
	s8 =	sld [smem:$0x3FA7]  }
0x2e: {  	s3 =	simm.s32 @!p0 $0x1082;
	s9 =	sld [smem:$0x3FA8]  }
0x2f: {  	lr =	sadd.s32 s0, s3;
	s0 =	sld [smem:$0x3F9F]  }
0x30: {  	s3 =	sld [smem:$0x3FA2]  }
0x31: {  	[smem:$0x3FAB] =	sst s10  }
0x32: {  	s10 =	sld [smem:$0x3FA9];
	_ =	sdelay $0x3  }
0x33: {  	p0 =	seq.s32 s10, $0x1;
	s10 =	sld [smem:$0x3FAB];
	_ =	sdelay $0x3  }
0x34: {  	[smem:$0x3FAB] =	sst s10  }
0x35: {  	s10 =	sld [smem:$0x3FAA];
	_ =	sdelay $0x3  }
0x36: {  	p1 =	seq.s32 s10, $0x1;
	s10 =	sld [smem:$0x3FAB];
	_ =	sdelay $0x3  }
0x37: {  	[smem:$0x3FAB] =	sst s10  }
0x38: {  	s10 =	sld [smem:$0x3FAC]  }
0x39: {  	_ = 	snop;
	(pc) =	sbr.ind lr, $3  }
0x3a: {  	_ = 	snop  }
0x3b: {  	_ = 	snop  }
0x3c: {  	p2 =	seq.s32 s10, $0x1;
	s10 =	sld [smem:$0x3FAB]  }
0x3d: {  	_ =	shalt  }
0x3e: {  	_ =	shalt  }
0x3f: {  	_ =	shalt  }
0x40: {  	_ =	shalt  }
0x41: {  	_ =	shalt  }
0x42: {  	_ =	shalt  }
0x43: {  	_ =	shalt  }
0x44: {  	_ =	shalt  }
0x45: {  	_ =	shalt  }
0x46: {  	_ =	shalt  }
0x47: {  	_ =	shalt  }
0x48: {  	_ =	shalt  }
0x49: {  	_ =	shalt  }
0x4a: {  	_ =	shalt  }
0x4b: {  	_ =	shalt  }
0x4c: {  	_ =	shalt  }
0x4d: {  	_ =	shalt  }
0x4e: {  	_ =	shalt  }
0x4f: {  	_ =	shalt  }
0x50: {  	_ =	shalt  }
0x51: {  	_ =	shalt  }
0x52: {  	_ =	shalt  }
0x53: {  	_ =	shalt  }
0x54: {  	_ =	shalt  }
0x55: {  	_ =	shalt  }
0x56: {  	_ =	shalt  }
0x57: {  	_ =	shalt  }
0x58: {  	_ =	shalt  }
0x59: {  	_ =	shalt  }
0x5a: {  	_ =	shalt  }
0x5b: {  	_ =	shalt  }
0x5c: {  	_ =	shalt  }
0x5d: {  	_ =	shalt  }
0x5e: {  	_ =	shalt  }
0x5f: {  	_ =	shalt  }
0x60: {  	_ =	shalt  }
0x61: {  	_ =	shalt  }
0x62: {  	_ =	shalt  }
0x63: {  	_ =	shalt  }
0x64: {  	_ =	shalt  }
0x65: {  	_ =	shalt  }
0x66: {  	_ =	shalt  }
0x67: {  	_ =	shalt  }
0x68: {  	_ =	shalt  }
0x69: {  	_ =	shalt  }
0x6a: {  	_ =	shalt  }
0x6b: {  	_ =	shalt  }
0x6c: {  	_ =	shalt  }
0x6d: {  	_ =	shalt  }
0x6e: {  	_ =	shalt  }
0x6f: {  	_ =	shalt  }
0x70: {  	_ =	shalt  }
0x71: {  	_ =	shalt  }
0x72: {  	_ =	shalt  }
0x73: {  	_ =	shalt  }
0x74: {  	_ =	shalt  }
0x75: {  	_ =	shalt  }
0x76: {  	_ =	shalt  }
0x77: {  	_ =	shalt  }
0x78: {  	_ =	shalt  }
0x79: {  	_ =	shalt  }
0x7a: {  	_ =	shalt  }
0x7b: {  	_ =	shalt  }
0x7c: {  	_ =	shalt  }
0x7d: {  	_ =	shalt  }
0x7e: {  	_ =	shalt  }
0x7f: {  	_ =	shalt  }
0x80: {  	_ =	shalt  }
0x81: {  	_ =	shalt  }
0x82: {  	_ =	shalt  }
0x83: {  	_ =	shalt  }
0x84: {  	_ =	shalt  }
0x85: {  	_ =	shalt  }
0x86: {  	_ =	shalt  }
0x87: {  	_ =	shalt  }
.Lfunc_end0:
.L_simem_size_0:
called_computation_lowered:
.L_overlay_start_0:
0x88: {  	s2 =	sld [smem:$0x3FD9]  }
0x89: {  	s3 =	sld [smem:$0x3FFE];
	_ =	sdelay $0x1  }
0x8a: {  	s1 =	srdreg.scid  }
0x8b: {  	s0 =	sand.u32 $0x1, s1  }
0x8c: {  	s14 =	sshll.u32 s0, $0xA;
	s2 =	sadd.s32 s3, s2  }
0x8d: {  	s2 =	sadd.s32 s2, s14  }
0x8e: {  	[smem:$0x3FB7] =	sst s2  }
0x8f: {  	_ = 	snop  }
0x90: {  	s2 =	sld [smem:$0x3FD0];
	_ =	sdelay $0x2  }
0x91: {  	s15 =	simm.s32 $0xA;
	s4 =	simm.s32 $0x10  }
0x92: {  	[smem:s4], [sflag:s15] =	dma.local [hbm:s2], $0x1  }
0x93: {  	_ =	swait.eq [sflag:s15], $0x1  }
0x94: {  	[sflag:s15] =	ssyncset.done $0x0  }
0x95: {  	[sflag:s15] =	ssyncadd.s32 $0xFFFFFFFF  }
0x96: {  	s16 =	sld [smem:$0x10];
	(tm) =	ssettm $0x1  }
0x97: {  	s17 =	sld [smem:$0x3FFB];
	_ =	sdelay $0x3  }
0x98: {  	_ =	strace s17  }
0x99: {  	s3 =	sld [smem:$0x3FFC];
	_ =	sdelay $0x3  }
0x9a: {  	_ =	strace s3  }
0x9b: {  	s3 =	sld [smem:$0x3FFD];
	_ =	sdelay $0x3  }
0x9c: {  	_ =	strace s3  }
0x9d: {  	_ =	strace $0x8FFFFFFF  }
0x9e: {  	s18 =	sld [smem:$0x3FDB];
	_ =	sdelay $0x1  }
0x9f: {  	s19 =	simm.s32 $_scs_section_size  }
0xa0: {  	s5 =	simm.s32 $_size__tile_overlayer_lowered;
	s6 =	simm.s32 $_tile_overlayer_lowered  }
0xa1: {  	s22 =	simm.s32 $0x1BFF;
	s21 =	sshll.u32 s6, $0x1;
	s3 =	sadd.s32 s19, s18  }
0xa2: {  	s7 =	simm.s32 $0x0;
	s20 =	sshll.u32 s5, $0x1;
	s5 =	sadd.s32 s21, s3  }
0xa3: {  	[timem:s7], [sflag:s22] =	dma.local [hbm:s5], s20  }
0xa4: {  	_ =	swait.ge [sflag:s22], s20  }
0xa5: {  	s4 =	ssub.s32 $0x0, s20;
	[sflag:s22] =	ssyncset.done $0x0  }
0xa6: {  	[sflag:s22] =	ssyncadd.s32 s4;
	_ =	sdelay $0x1  }
0xa7: {  	s23 =	simm.s32 $0x1B8B  }
0xa8: {  	_ =	swait.ge [sflag:s23], $0x1  }
0xa9: {  	[sflag:s23] =	ssyncset.done $0x0  }
0xaa: {  	s25 =	simm.s32 $0x1B8E;
	s24 =	sld [smem:$0x3FFE];
	[sflag:s23] =	ssyncadd.s32 $0xFFFFFFFF  }
0xab: {  	s26 =	simm.s32 $execute0_lowered;
	[smem:$0x3FD2] =	sst s25  }
0xac: {  	s5 =	sshll.u32 s26, $0x1;
	_ =	strace $0x80000046;
	[dreg:$0x1] =	wrdreg $0xFFFFFFFF  }
0xad: {  	s28 =	simm.s32 $_size_execute0_lowered;
	s3 =	sadd.s32 s3, s5;
	[dreg:$0x0] =	wrdreg $0x0  }
0xae: {  	s5 =	sshll.u32 s28, $0x1;
	[dreg:$0x2] =	wrdreg s3  }
0xaf: {  	[dreg:$0x3] =	wrdreg s5  }
0xb0: {  	[dreg:$0x4] =	wrdreg $0xC0  }
0xb1: {  	_ =	task [dreg:s7], $0x5FFFF  }
0xb2: {  	[dreg:$0x1] =	wrdreg $0xFFFFFFFF  }
0xb3: {  	[dreg:$0x0] =	wrdreg $0x60  }
0xb4: {  	[dreg:$0x2] =	wrdreg s24  }
0xb5: {  	[dreg:$0x3] =	wrdreg s16  }
0xb6: {  	[dreg:$0x4] =	wrdreg $0x9  }
0xb7: {  	_ =	task.clear_ibuf [dreg:s7], $0x5FFFF;
	_ =	strace $0x90000046  }
0xb8: {  	s29 =	simm.s32 $0x9;
	_ =	strace $0x80000048  }
0xb9: {  	_ =	swait.ge [sflag:s29], $0x1  }
0xba: {  	[sflag:s29] =	ssyncadd.s32 $0xFFFFFFFF  }
0xbb: {  	_ =	strace $0x90000048  }
0xbc: {  	_ =	sfence  }
0xbd: {  	s30 =	sld [smem:$0x0];
	_ =	sdelay $0x2  }
0xbe: {  	s31 =	sshll.u32 s1, $0xD;
	s1 =	sshrl.u32 s1, $0x2  }
0xbf: {  	s3 =	sand.u32 $0x4000, s31;
	s1 =	sadd.s32 s1, s30  }
0xc0: {  	s0 =	sor.u32 s3, s0;
	s1 =	sshll.u32 s1, $0x11  }
0xc1: {  	s0 =	sor.u32 s1, s0  }
0xc2: {  	s0 =	sadd.s32 $0x8F2B, s0  }
0xc3: {  	[sflag:s0] =	ssyncadd.remote.s32 $0x1  }
0xc4: {  	_ =	sfence.sel $0xFFFF  }
0xc5: {  	[dreg:$0x0] =	wrdreg $0xFFFFFFFF;
	(pc) =	sbr.abs _section_cstart, $3  }
0xc6: {  	[dreg:$0x1] =	wrdreg $0xFFFFFFFF  }
0xc7: {  	_ =	task.clear_ibuf [dreg:s7], $0x2FFFF;
	_ =	strace $0x9FFFFFFF  }
0xc8: {  	(tm) =	ssettm $0x7FFFFFFF  }
0xc9: {  	_ =	shalt  }
tec
execute0_lowered:
.L_overlay_start_1:
0x0: {  	(tag) =	ssettag $0x1  }
0x1: {  	s10 =	rddreg [dreg:$0x0];
	s1 =	srdreg.scid  }
0x2: {  	s0 =	stileid.u32;
	s12 =	rddreg [dreg:$0x1]  }
0x3: {  	s2 =	simm.s32 $0x0;
	s16 =	simm.s32 $0x11180;
	s17 =	simm.s32 $0x11280  }
0x4: {  	s18 =	simm.s32 $0x11300;
	s19 =	simm.s32 $0x12380;
	s20 =	simm.s32 $0x12480  }
0x5: {  	s21 =	simm.s32 $0x12580;
	s22 =	simm.s32 $0x1;
	s23 =	simm.s32 $0x12600  }
0x6: {  	v0 =	vimm.s32 $0xA9764310;
	s24 =	simm.s32 $0x12C00;
	s25 =	simm.s32 $0x2;
	s26 =	simm.s32 $0x0  }
0x7: {  	v1 =	vimm.s32 $0x100F0D0C;
	s9 =	sand.u32 $0x1, s1;
	s3 =	sshll.u32 s0, $0x1;
	[smem:$0x7FF] =	sst s2;
	v0 =	vunpack.c.l.s4.s8 v0  }
0x8: {  	v2 =	vimm.s32 $0x16151312;
	s4 =	sadd.s32 $0x43A00, s10;
	s5 =	sadd.s32 $0x43600, s10;
	s6 =	sadd.s32 $0x44000, s10  }
0x9: {  	s7 =	sadd.s32 $0x43200, s10;
	s8 =	sadd.s32 $0x43C00, s10;
	v1 =	vunpack.c.0.s8.s32 v1;
	v2 =	vunpack.c.0.s8.s32 v2;
	s13 =	sor.u32 s9, s3;
	v0 =	vunpack.c.0.s8.s32 v0  }
0xa: {  	vm0 =	vcmask $0x1F10;
	_ =	strace $0x80000047;
	s14 =	ssub.s32 $0x2, s9;
	s9 =	sadd.s32 $0x43800, s10  }
0xb: {  	s3 =	sshll.u32 s13, $0xD;
	s15 =	sshrl.u32 s14, $0x1;
	s13 =	sshll.u32 s13, $0x7;
	v1 =	vsel vm0, v2, v1;
	v0 =	vand.u32 $0xF, v0  }
0xc: {  	s11 =	sadd.s32 s3, s10;
	s3 =	sadd.s32 $0x42E00, s10;
	s10 =	sadd.s32 $0x43E00, s10;
	v2 =	vcombine.low v0, v1  }
0xd: {  	s14 =	ssub.s32 s14, s15;
	s12 =	sadd.s32 s12, s13;
	s15 =	simm.s32 $0x11080  }
0xe: {  	s11 =	sadd.s32 $0x2E00, s11;
	s13 =	smax.u32 s14, $0x1;
	s14 =	simm.s32 $0x10000;
	[tilespmem:$0x1FFF0] =	vst v2  }
.LBB2_1:
0xf: {  	[tilespmem:s2], [sflag:$0x1] =	stream.linear.gather [hbm4b:s11+s2], $0x10000, $0x38;
	[tilespmem:$0x13000] =	vst v63  }
0x10: {  	_ = 	snop  }
0x11: {  	[tilespmem:s14], [sflag:$0x1] =	stream.linear.gather [hbm4b:s3+s2], $0x1080, $0x38;
	[tilespmem:$0x13000] =	vst v63  }
0x12: {  	_ = 	snop  }
0x13: {  	[tilespmem:s15], [sflag:$0x1] =	stream.linear.gather [hbm4b:s4+s2], $0x100, $0x38;
	[tilespmem:$0x13000] =	vst v63  }
0x14: {  	_ = 	snop  }
0x15: {  	[tilespmem:s16], [sflag:$0x1] =	stream.linear.gather [hbm4b:s5+s2], $0x100, $0x38;
	[tilespmem:$0x13000] =	vst v63  }
0x16: {  	_ = 	snop  }
0x17: {  	[tilespmem:s17], [sflag:$0x1] =	stream.linear.gather [hbm4b:s6+s2], $0x80, $0x38;
	[tilespmem:$0x13000] =	vst v63  }
0x18: {  	_ = 	snop  }
0x19: {  	[tilespmem:s18], [sflag:$0x1] =	stream.linear.gather [hbm4b:s7+s2], $0x1080, $0x38;
	[tilespmem:$0x13000] =	vst v63  }
0x1a: {  	_ = 	snop  }
0x1b: {  	[tilespmem:s19], [sflag:$0x1] =	stream.linear.gather [hbm4b:s8+s2], $0x100, $0x38;
	[tilespmem:$0x13000] =	vst v63  }
0x1c: {  	_ = 	snop  }
0x1d: {  	[tilespmem:s20], [sflag:$0x1] =	stream.linear.gather [hbm4b:s9+s2], $0x100, $0x38;
	[tilespmem:$0x13000] =	vst v63  }
0x1e: {  	_ = 	snop  }
0x1f: {  	[tilespmem:s21], [sflag:$0x1] =	stream.linear.gather [hbm4b:s10+s2], $0x80, $0x38;
	[tilespmem:$0x13000] =	vst v63  }
0x20: {  	_ =	swait.ge [sflag:s22], $0x10000  }
0x21: {  	[sflag:s22] =	ssyncset.done $0x0  }
0x22: {  	[sflag:s22] =	ssyncadd.s32 $0xFFFF0000  }
0x23: {  	_ =	swait.ge [sflag:s22], $0x1080  }
0x24: {  	[sflag:s22] =	ssyncset.done $0x0  }
0x25: {  	[sflag:s22] =	ssyncadd.s32 $0xFFFFEF80  }
0x26: {  	_ =	swait.ge [sflag:s22], $0x100  }
0x27: {  	[sflag:s22] =	ssyncset.done $0x0  }
0x28: {  	[sflag:s22] =	ssyncadd.s32 $0xFFFFFF00  }
0x29: {  	_ =	swait.ge [sflag:s22], $0x100  }
0x2a: {  	[sflag:s22] =	ssyncset.done $0x0  }
0x2b: {  	[sflag:s22] =	ssyncadd.s32 $0xFFFFFF00  }
0x2c: {  	_ =	swait.ge [sflag:s22], $0x80  }
0x2d: {  	[sflag:s22] =	ssyncset.done $0x0  }
0x2e: {  	[sflag:s22] =	ssyncadd.s32 $0xFFFFFF80  }
0x2f: {  	_ =	swait.ge [sflag:s22], $0x1080  }
0x30: {  	[sflag:s22] =	ssyncset.done $0x0  }
0x31: {  	[sflag:s22] =	ssyncadd.s32 $0xFFFFEF80  }
0x32: {  	_ =	swait.ge [sflag:s22], $0x100  }
0x33: {  	[sflag:s22] =	ssyncset.done $0x0  }
0x34: {  	[sflag:s22] =	ssyncadd.s32 $0xFFFFFF00  }
0x35: {  	_ =	swait.ge [sflag:s22], $0x100  }
0x36: {  	[sflag:s22] =	ssyncset.done $0x0  }
0x37: {  	[sflag:s22] =	ssyncadd.s32 $0xFFFFFF00  }
0x38: {  	_ =	swait.ge [sflag:s22], $0x80  }
0x39: {  	[sflag:s22] =	ssyncset.done $0x0  }
0x3a: {  	s28 =	simm.s32 $0x0;
	[sflag:s22] =	ssyncadd.s32 $0xFFFFFF80  }
.LBB2_2:
0x3b: {  	s29 =	sshll.u32 s28, $0x4;
	v0 =	vlaneseq.u32  }
0x3c: {  	v0 =	vor.u32 s29, v0  }
0x3d: {  	[tilespmem:$0x1FEB0] =	vst v0;
	v0 =	vshll.u32 v0, $0x7;
	_ =	sdelay $0x1  }
0x3e: {  	v1 =	vor.u32 $0x1, v0;
	_ =	sdelay $0x1  }
0x3f: {  	s29 =	simm.s32 $0x0;
	v3 =	vor.u32 $0x2, v0  }
0x40: {  	v4 =	vld.idx.msk [tilespmem:v0+s29+$0x0], $0xffff  }
0x41: {  	v5 =	vor.u32 $0x3, v0  }
0x42: {  	v1 =	vld.idx.msk [tilespmem:v1+s29+$0x0], $0xffff  }
0x43: {  	v6 =	vor.u32 $0x4, v0  }
0x44: {  	v3 =	vld.idx.msk [tilespmem:v3+s29+$0x0], $0xffff  }
0x45: {  	v7 =	vor.u32 $0x5, v0;
	vm0 =	vgt.f32 v4, $-Inf  }
0x46: {  	v5 =	vld.idx.msk [tilespmem:v5+s29+$0x0], $0xffff;
	v4 =	vnsel vm0, $0xFF800000, v4  }
0x47: {  	v8 =	vor.u32 $0x6, v0;
	vm0 =	vgt.f32 v1, v4  }
0x48: {  	v1 =	vsel vm0, v1, v4;
	v4 =	vld.idx.msk [tilespmem:v6+s29+$0x0], $0xffff  }
0x49: {  	v6 =	vor.u32 $0x7, v0;
	vm1 =	vgt.f32 v3, v1  }
0x4a: {  	v1 =	vsel vm1, v3, v1;
	v3 =	vld.idx.msk [tilespmem:v7+s29+$0x0], $0xffff  }
0x4b: {  	v7 =	vor.u32 $0x8, v0;
	vm2 =	vgt.f32 v5, v1  }
0x4c: {  	v1 =	vsel vm2, v5, v1;
	v5 =	vld.idx.msk [tilespmem:v8+s29+$0x0], $0xffff  }
0x4d: {  	v32 =	vor.u32 $0x9, v0;
	vm3 =	vgt.f32 v4, v1  }
0x4e: {  	v1 =	vsel vm3, v4, v1;
	v4 =	vld.idx.msk [tilespmem:v6+s29+$0x0], $0xffff  }
0x4f: {  	v6 =	vor.u32 $0xA, v0;
	vm4 =	vgt.f32 v3, v1  }
0x50: {  	v1 =	vsel vm4, v3, v1;
	v3 =	vld.idx.msk [tilespmem:v7+s29+$0x0], $0xffff  }
0x51: {  	v7 =	vor.u32 $0xB, v0;
	vm5 =	vgt.f32 v5, v1  }
0x52: {  	v1 =	vsel vm5, v5, v1;
	v5 =	vld.idx.msk [tilespmem:v32+s29+$0x0], $0xffff  }
0x53: {  	v33 =	vor.u32 $0xC, v0;
	vm6 =	vgt.f32 v4, v1  }
0x54: {  	v1 =	vsel vm6, v4, v1;
	v4 =	vld.idx.msk [tilespmem:v6+s29+$0x0], $0xffff  }
0x55: {  	v2 =	vimm.s32 $0x0;
	v6 =	vor.u32 $0xD, v0;
	vm7 =	vgt.f32 v3, v1  }
0x56: {  	v9 =	vsel vm0, $0x1, v2;
	v1 =	vsel vm7, v3, v1;
	v3 =	vld.idx.msk [tilespmem:v7+s29+$0x0], $0xffff  }
0x57: {  	v34 =	vor.u32 $0xE, v0;
	v7 =	vsel vm1, $0x2, v9;
	vm9 =	vgt.f32 v5, v1  }
0x58: {  	v7 =	vsel vm2, $0x3, v7;
	v1 =	vsel vm9, v5, v1;
	v5 =	vld.idx.msk [tilespmem:v33+s29+$0x0], $0xffff  }
0x59: {  	v35 =	vor.u32 $0xF, v0;
	v7 =	vsel vm3, $0x4, v7;
	vm10 =	vgt.f32 v4, v1  }
0x5a: {  	v7 =	vsel vm4, $0x5, v7;
	v1 =	vsel vm10, v4, v1;
	v4 =	vld.idx.msk [tilespmem:v6+s29+$0x0], $0xffff  }
0x5b: {  	v6 =	vsel vm5, $0x6, v7;
	vm11 =	vgt.f32 v3, v1  }
0x5c: {  	v6 =	vsel vm6, $0x7, v6;
	v1 =	vsel vm11, v3, v1;
	v3 =	vld.idx.msk [tilespmem:v34+s29+$0x0], $0xffff  }
0x5d: {  	v6 =	vsel vm7, $0x8, v6;
	vm12 =	vgt.f32 v5, v1  }
0x5e: {  	v6 =	vsel vm9, $0x9, v6;
	v1 =	vsel vm12, v5, v1;
	v5 =	vld.idx.msk [tilespmem:v35+s29+$0x0], $0xffff  }
0x5f: {  	v6 =	vsel vm10, $0xA, v6;
	vm13 =	vgt.f32 v4, v1  }
0x60: {  	v6 =	vsel vm11, $0xB, v6;
	v1 =	vsel vm13, v4, v1  }
0x61: {  	v4 =	vsel vm12, $0xC, v6;
	vm14 =	vgt.f32 v3, v1  }
0x62: {  	v4 =	vsel vm13, $0xD, v4;
	v1 =	vsel vm14, v3, v1  }
0x63: {  	v3 =	vsel vm14, $0xE, v4;
	vm15 =	vgt.f32 v5, v1  }
0x64: {  	v4 =	vsel vm15, $0xF, v3  }
0x65: {  	v9 =	vmul.u32 $0x9, v4;
	_ =	sdelay $0x2  }
0x66: {  	v3 =	vadd.s32 $0x1, v9  }
0x67: {  	v6 =	vadd.s32 $0x2, v9  }
0x68: {  	v8 =	vadd.s32 $0x3, v9  }
0x69: {  	v7 =	vadd.s32 $0x4, v9;
	v1 =	vld.idx.msk [tilespmem:v9+s15+$0x0], $0xffff  }
0x6a: {  	v2 =	vadd.s32 $0x5, v9;
	v22 =	vld.idx.msk [tilespmem:v9+s19+$0x0], $0xffff  }
0x6b: {  	v10 =	vadd.s32 $0x7, v9;
	v5 =	vld.idx.msk [tilespmem:v3+s15+$0x0], $0xffff  }
0x6c: {  	v11 =	vmul.u32 $0x101, v4;
	v19 =	vld.idx.msk [tilespmem:v6+s15+$0x0], $0xffff  }
0x6d: {  	v14 =	vld.idx.msk [tilespmem:v8+s15+$0x0], $0xffff  }
0x6e: {  	v20 =	vadd.s32 s29, v11;
	v18 =	vld.idx.msk [tilespmem:v7+s15+$0x0], $0xffff  }
0x6f: {  	v23 =	vld.idx.msk [tilespmem:v2+s15+$0x0], $0xffff  }
0x70: {  	v25 =	vld.idx.msk [tilespmem:v10+s15+$0x0], $0xffff  }
0x71: {  	v24 =	vadd.s32 $0x2, v20;
	v27 =	vld.idx.msk [tilespmem:v3+s19+$0x0], $0xffff  }
0x72: {  	v33 =	vadd.s32 $0x3, v20;
	v29 =	vld.idx.msk [tilespmem:v6+s19+$0x0], $0xffff  }
0x73: {  	v28 =	vld.idx.msk [tilespmem:v20+s18+$0x0], $0xffff  }
0x74: {  	v30 =	vld.idx.msk [tilespmem:v20+s14+$0x0], $0xffff  }
0x75: {  	v47 =	vadd.s32 $0x1, v20;
	v61 =	vld.idx.msk [tilespmem:v8+s19+$0x0], $0xffff  }
0x76: {  	s29 =	simm.s32 $0x10;
	v35 =	vld.idx.msk [tilespmem:v24+s18+$0x0], $0xffff  }
0x77: {  	v42 =	vadd.s32 s29, v11;
	v62 =	vadd.s32 $0x7, v20;
	v38 =	vld.idx.msk [tilespmem:v33+s18+$0x0], $0xffff  }
0x78: {  	[tilespmem:$0x1FEC0] =	vst v4;
	v4 =	vadd.s32 $0x4, v42;
	v50 =	vld.idx.msk [tilespmem:v24+s14+$0x0], $0xffff  }
0x79: {  	v33 =	vld.idx.msk [tilespmem:v33+s14+$0x0], $0xffff  }
0x7a: {  	[tilespmem:$0x1FED0] =	vst v3;
	v3 =	vadd.s32 $0x3, v42;
	v55 =	vld.idx.msk [tilespmem:v47+s14+$0x0], $0xffff  }
0x7b: {  	v47 =	vld.idx.msk [tilespmem:v47+s18+$0x0], $0xffff  }
0x7c: {  	[tilespmem:$0x1FEE0] =	vst v6;
	v6 =	vor.u32 $0x10, v0;
	v0 =	vadd.s32 $0x1, v42;
	v60 =	vld.idx.msk [tilespmem:v62+s14+$0x0], $0xffff  }
0x7d: {  	s29 =	simm.s32 $0x0;
	v13 =	vld.idx.msk [tilespmem:v4+s18+$0x0], $0xffff  }
0x7e: {  	s30 =	simm.s32 $0x3;
	v12 =	vadd.s32 s29, v6;
	s29 =	simm.s32 $0x18;
	v52 =	vld.idx.msk [tilespmem:v4+s14+$0x0], $0xffff  }
0x7f: {  	v31 =	vadd.s32 s30, v6;
	v16 =	vadd.s32 s29, v11;
	s29 =	simm.s32 $0x8;
	v32 =	vld.idx.msk [tilespmem:v3+s18+$0x0], $0xffff  }
0x80: {  	v36 =	vadd.s32 $0x2, v16;
	v39 =	vadd.s32 s29, v11;
	v34 =	vld.idx.msk [tilespmem:v3+s14+$0x0], $0xffff  }
0x81: {  	v41 =	vadd.s32 $0x2, v39;
	v37 =	vld.idx.msk [tilespmem:v0+s14+$0x0], $0xffff  }
0x82: {  	v43 =	vadd.s32 $0x1, v39;
	v40 =	vld.idx.msk [tilespmem:v0+s18+$0x0], $0xffff  }
0x83: {  	v49 =	vadd.s32 $0x4, v39;
	v17 =	vld.idx.msk [tilespmem:v12+s2+$0x0], $0xffff  }
0x84: {  	v51 =	vadd.s32 $0x5, v39;
	v12 =	vld.idx.msk [tilespmem:v31+s2+$0x0], $0xffff  }
0x85: {  	[tilespmem:$0x1FEF0] =	vst v11;
	v53 =	vadd.s32 $0x6, v39;
	v11 =	vld.idx.msk [tilespmem:v36+s14+$0x0], $0xffff  }
0x86: {  	v54 =	vadd.s32 $0x7, v39;
	v46 =	vld.idx.msk [tilespmem:v41+s18+$0x0], $0xffff  }
0x87: {  	v48 =	vld.idx.msk [tilespmem:v43+s18+$0x0], $0xffff  }
0x88: {  	v3 =	vadd.s32 $0x4, v20;
	v56 =	vld.idx.msk [tilespmem:v49+s18+$0x0], $0xffff  }
0x89: {  	v57 =	vld.idx.msk [tilespmem:v51+s18+$0x0], $0xffff  }
0x8a: {  	v31 =	vadd.s32 $0x6, v42;
	v58 =	vld.idx.msk [tilespmem:v53+s18+$0x0], $0xffff  }
0x8b: {  	v59 =	vld.idx.msk [tilespmem:v54+s18+$0x0], $0xffff  }
0x8c: {  	v41 =	vld.idx.msk [tilespmem:v41+s14+$0x0], $0xffff  }
0x8d: {  	v44 =	vld.idx.msk [tilespmem:v3+s18+$0x0], $0xffff  }
0x8e: {  	v45 =	vld.idx.msk [tilespmem:v3+s14+$0x0], $0xffff  }
0x8f: {  	s29 =	simm.s32 $0x1;
	v3 =	vld.idx.msk [tilespmem:v31+s14+$0x0], $0xffff  }
0x90: {  	v21 =	vld.idx.msk [tilespmem:v31+s18+$0x0], $0xffff;
	v31 =	vadd.s32 s29, v6;
	s29 =	simm.s32 $0x2  }
0x91: {  	v51 =	vld.idx.msk [tilespmem:v51+s14+$0x0], $0xffff;
	v4 =	vadd.s32 s29, v6  }
0x92: {  	v43 =	vld.idx.msk [tilespmem:v43+s14+$0x0], $0xffff  }
0x93: {  	v54 =	vld.idx.msk [tilespmem:v54+s14+$0x0], $0xffff  }
0x94: {  	[tilespmem:$0x1FF50] =	vst v9;
	v49 =	vld.idx.msk [tilespmem:v49+s14+$0x0], $0xffff  }
0x95: {  	[tilespmem:$0x1FF00] =	vst v6;
	v28 =	vmul.f32 v28, v17;
	v6 =	vadd.s32 $0x2, v42;
	v31 =	vld.idx.msk [tilespmem:v31+s2+$0x0], $0xffff  }
0x96: {  	[tilespmem:$0x1FFE0] =	vst v13;
	v13 =	vadd.s32 $0x6, v9;
	v9 =	vadd.s32 $0x6, v20;
	v24 =	vld.idx.msk [tilespmem:v4+s2+$0x0], $0xffff  }
0x97: {  	v33 =	vmul.f32 v33, v17;
	v0 =	vadd.f32 v28, v22;
	v4 =	vld.idx.msk [tilespmem:v36+s18+$0x0], $0xffff;
	v36 =	vadd.s32 $0x5, v20  }
0x98: {  	v53 =	vld.idx.msk [tilespmem:v53+s14+$0x0], $0xffff  }
0x99: {  	v35 =	vmul.f32 v35, v17;
	[tilespmem:$0x1FF20] =	vst v0;
	v0 =	vadd.f32 v33, v14;
	v33 =	vld.idx.msk [tilespmem:v7+s19+$0x0], $0xffff  }
0x9a: {  	v63 =	vadd.s32 $0x3, v39;
	v30 =	vmul.f32 v30, v17;
	v22 =	vmul.f32 v60, v17;
	v60 =	vld.idx.msk [tilespmem:v6+s14+$0x0], $0xffff  }
0x9b: {  	v29 =	vadd.f32 v35, v29;
	v14 =	vmul.f32 v45, v17;
	v35 =	vmul.f32 v41, v31;
	v41 =	vld.idx.msk [tilespmem:v9+s14+$0x0], $0xffff  }
0x9c: {  	v1 =	vadd.f32 v30, v1;
	v30 =	vld.idx.msk [tilespmem:v36+s14+$0x0], $0xffff  }
0x9d: {  	v45 =	vadd.f32 v14, v18;
	v14 =	vadd.s32 $0x7, v42;
	v18 =	vmul.f32 v46, v31;
	v46 =	vld.idx.msk [tilespmem:v36+s18+$0x0], $0xffff  }
0x9e: {  	[tilespmem:$0x1FF40] =	vst v7;
	v7 =	vadd.s32 $0x5, v42;
	v36 =	vmul.f32 v55, v17;
	v55 =	vld.idx.msk [tilespmem:v42+s14+$0x0], $0xffff  }
0x9f: {  	[tilespmem:$0x1FF10] =	vst v8;
	v15 =	vadd.s32 $0x1, v16;
	v26 =	vadd.f32 v18, v29;
	v29 =	vmul.f32 v50, v17;
	v50 =	vld.idx.msk [tilespmem:v63+s18+$0x0], $0xffff  }
0xa0: {  	v8 =	vadd.f32 v22, v25;
	v25 =	vadd.f32 v36, v5;
	v36 =	vmul.f32 v47, v17;
	v47 =	vld.idx.msk [tilespmem:v13+s15+$0x0], $0xffff  }
0xa1: {  	v5 =	vadd.f32 v29, v19;
	v29 =	vld.idx.msk [tilespmem:v42+s18+$0x0], $0xffff  }
0xa2: {  	v11 =	vmul.f32 v11, v12;
	v54 =	vmul.f32 v54, v31;
	v42 =	vld.idx.msk [tilespmem:v14+s18+$0x0], $0xffff  }
0xa3: {  	v18 =	vadd.s32 $0x7, v16;
	v19 =	vmul.f32 v30, v17;
	v30 =	vmul.f32 v38, v17;
	v38 =	vld.idx.msk [tilespmem:v7+s14+$0x0], $0xffff  }
0xa4: {  	v43 =	vmul.f32 v43, v31;
	v60 =	vmul.f32 v60, v24;
	v5 =	vadd.f32 v35, v5;
	v7 =	vld.idx.msk [tilespmem:v7+s18+$0x0], $0xffff  }
0xa5: {  	v19 =	vadd.f32 v19, v23;
	v23 =	vmul.f32 v44, v17;
	v44 =	vmul.f32 v51, v31;
	v51 =	vld.idx.msk [tilespmem:v15+s18+$0x0], $0xffff  }
0xa6: {  	v32 =	vmul.f32 v32, v24;
	v40 =	vmul.f32 v40, v24;
	v5 =	vadd.f32 v60, v5;
	v60 =	vld.idx.msk [tilespmem:v39+s14+$0x0], $0xffff  }
0xa7: {  	v3 =	vmul.f32 v3, v24;
	v30 =	vadd.f32 v30, v61;
	v61 =	vmul.f32 v50, v31;
	v50 =	vld.idx.msk [tilespmem:v2+s19+$0x0], $0xffff  }
0xa8: {  	v27 =	vadd.f32 v36, v27;
	v35 =	vadd.f32 v44, v19;
	v19 =	vmul.f32 v48, v31;
	v48 =	vld.idx.msk [tilespmem:v18+s14+$0x0], $0xffff  }
0xa9: {  	[tilespmem:$0x1FF30] =	vst v0;
	v36 =	vadd.s32 $0x6, v16;
	v33 =	vadd.f32 v23, v33;
	v0 =	vadd.f32 v11, v5;
	v11 =	vld.idx.msk [tilespmem:v14+s14+$0x0], $0xffff  }
0xaa: {  	v30 =	vadd.f32 v61, v30;
	v5 =	vld.idx.msk [tilespmem:v63+s14+$0x0], $0xffff;
	v61 =	vmul.f32 v41, v17;
	v23 =	vmul.f32 v53, v31  }
0xab: {  	v63 =	vld.idx.msk [tilespmem:v39+s18+$0x0], $0xffff;
	v39 =	vadd.s32 $0x4, v16;
	v14 =	vmul.f32 v21, v24;
	v38 =	vmul.f32 v38, v24  }
0xac: {  	v27 =	vadd.f32 v19, v27;
	[tilespmem:$0x1FF60] =	vst v0;
	v47 =	vadd.f32 v61, v47;
	v0 =	vmul.f32 v58, v31  }
0xad: {  	v58 =	vadd.s32 $0x5, v16;
	v61 =	vadd.f32 v43, v25;
	v25 =	vld.idx.msk [tilespmem:v13+s19+$0x0], $0xffff;
	v38 =	vadd.f32 v38, v35  }
0xae: {  	v43 =	vld.idx.msk [tilespmem:v6+s18+$0x0], $0xffff;
	v35 =	vadd.f32 v32, v30;
	v30 =	vmul.f32 v56, v31;
	v56 =	vmul.f32 v57, v31  }
0xaf: {  	v57 =	vld.idx.msk [tilespmem:v16+s14+$0x0], $0xffff;
	v22 =	vmul.f32 v60, v31;
	[tilespmem:$0x1FF70] =	vst v0;
	v0 =	vmul.f32 v59, v31  }
0xb0: {  	[tilespmem:$0x1FF90] =	vst v2;
	v59 =	vadd.s32 $0x3, v16;
	v2 =	vadd.f32 v40, v27;
	v27 =	vmul.f32 v49, v31;
	v49 =	vld.idx.msk [tilespmem:v36+s18+$0x0], $0xffff  }
0xb1: {  	v40 =	vadd.f32 v23, v47;
	v1 =	vadd.f32 v22, v1;
	v60 =	vmul.f32 v63, v31;
	v53 =	vld.idx.msk [tilespmem:v39+s18+$0x0], $0xffff  }
0xb2: {  	v5 =	vmul.f32 v5, v31;
	[tilespmem:$0x1FF80] =	vst v0;
	v0 =	vmul.f32 v51, v12;
	v51 =	vld.idx.msk [tilespmem:v39+s14+$0x0], $0xffff  }
0xb3: {  	v41 =	vadd.f32 v30, v33;
	v33 =	vmul.f32 v48, v12;
	v22 =	vmul.f32 v52, v24;
	v23 =	vld.idx.msk [tilespmem:v58+s14+$0x0], $0xffff  }
0xb4: {  	v39 =	vadd.f32 v27, v45;
	v27 =	vmul.f32 v46, v17;
	v3 =	vadd.f32 v3, v40;
	v63 =	vld.idx.msk [tilespmem:v58+s18+$0x0], $0xffff  }
0xb5: {  	[tilespmem:$0x1FFD0] =	vst v10;
	v40 =	vmul.f32 v29, v24;
	v46 =	vmul.f32 v37, v24;
	v28 =	vadd.f32 v0, v2;
	v0 =	vld [tilespmem:$0x1FFE0]  }
0xb6: {  	[tilespmem:$0x1FFC0] =	vst v13;
	v58 =	vmul.f32 v4, v12;
	v30 =	vmul.f32 v57, v12;
	v45 =	vld.idx.msk [tilespmem:v59+s14+$0x0], $0xffff  }
0xb7: {  	v29 =	vld.idx.msk [tilespmem:v10+s19+$0x0], $0xffff;
	v32 =	vadd.f32 v27, v50;
	v50 =	vmul.f32 v55, v24;
	v27 =	vmul.f32 v42, v24  }
0xb8: {  	[tilespmem:$0x1FFA0] =	vst v14;
	v37 =	vld.idx.msk [tilespmem:v62+s18+$0x0], $0xffff;
	v57 =	vmul.f32 v7, v24;
	v19 =	vmul.f32 v49, v12  }
0xb9: {  	v47 =	vadd.f32 v54, v8;
	v49 =	vmul.f32 v34, v24;
	v34 =	vld.idx.msk [tilespmem:v59+s18+$0x0], $0xffff;
	v4 =	vmul.f32 v53, v12  }
0xba: {  	v55 =	vadd.f32 v56, v32;
	[tilespmem:$0x1FFB0] =	vst v19;
	v56 =	vmul.f32 v23, v12;
	v42 =	vmul.f32 v0, v24  }
0xbb: {  	s30 =	simm.s32 $0x7;
	s29 =	simm.s32 $0x20;
	v0 =	vadd.f32 v22, v39;
	v39 =	vld.idx.msk [tilespmem:v9+s18+$0x0], $0xffff;
	v48 =	vmul.f32 v45, v12;
	v45 =	vmul.f32 v11, v24  }
.LBB2_3:
0xbc: {  	v31 =	vld [tilespmem:$0x1FEF0]  }
0xbd: {  	v62 =	vld [tilespmem:$0x1FF00]  }
0xbe: {  	v9 =	vld.idx.msk [tilespmem:v36+s14+$0x0], $0xffff;
	v8 =	vadd.f32 v42, v41  }
0xbf: {  	v10 =	vld.idx.msk [tilespmem:v16+s18+$0x0], $0xffff;
	v14 =	vadd.f32 v45, v47  }
0xc0: {  	v50 =	vadd.f32 v50, v1;
	v1 =	vadd.f32 v4, v8;
	v13 =	vmul.f32 v37, v17  }
0xc1: {  	v24 =	vmul.f32 v43, v24;
	v17 =	vmul.f32 v39, v17;
	v6 =	vadd.s32 s29, v31  }
0xc2: {  	s31 =	sadd.s32 $0xFFFFFFFD, s30;
	s1 =	sadd.s32 $0x10, s29;
	s0 =	sadd.s32 $0x18, s29;
	v52 =	vld.idx.msk [tilespmem:v18+s18+$0x0], $0xffff;
	v18 =	vmul.f32 v34, v12;
	v45 =	vadd.f32 v33, v14;
	v7 =	vadd.s32 s30, v62  }
0xc3: {  	v4 =	vld [tilespmem:$0x1FF30];
	v11 =	vadd.s32 s31, v62;
	v53 =	vadd.s32 s1, v31;
	v16 =	vadd.s32 s0, v31  }
0xc4: {  	v23 =	vmul.f32 v9, v12;
	v10 =	vmul.f32 v10, v12;
	v2 =	vadd.s32 $0x3, v53  }
0xc5: {  	v15 =	vld.idx.msk [tilespmem:v15+s14+$0x0], $0xffff;
	v44 =	vadd.s32 $0x4, v53;
	v42 =	vadd.s32 $0x2, v6;
	v54 =	vadd.s32 $0x3, v6  }
0xc6: {  	v21 =	vadd.s32 $0x4, v6;
	v47 =	vadd.s32 $0x5, v6;
	v34 =	vadd.s32 $0x1, v16;
	v22 =	vld.idx.msk [tilespmem:v6+s18+$0x0], $0xffff  }
0xc7: {  	v37 =	vadd.s32 $0x6, v6;
	v24 =	vadd.f32 v24, v26;
	[tilespmem:$0x1FDE0] =	vst v45;
	v9 =	vadd.s32 $0x1, v6;
	v32 =	vld.idx.msk [tilespmem:v6+s14+$0x0], $0xffff  }
0xc8: {  	v25 =	vadd.f32 v17, v25;
	[tilespmem:$0x1FDF0] =	vst v37;
	v37 =	vadd.s32 $0x7, v6;
	v4 =	vadd.f32 v5, v4;
	v6 =	vld.idx.msk [tilespmem:v16+s14+$0x0], $0xffff  }
0xc9: {  	v45 =	vadd.f32 v58, v24;
	v5 =	vmul.f32 v63, v12;
	v24 =	vmul.f32 v51, v12;
	v17 =	vld.idx.msk [tilespmem:v11+s2+$0x0], $0xffff  }
0xca: {  	v13 =	vadd.f32 v13, v29;
	v15 =	vmul.f32 v15, v12;
	v29 =	vmul.f32 v52, v12;
	v12 =	vld.idx.msk [tilespmem:v7+s2+$0x0], $0xffff  }
0xcb: {  	v43 =	vld.idx.msk [tilespmem:v2+s18+$0x0], $0xffff  }
0xcc: {  	[tilespmem:$0x1FE00] =	vst v1;
	v20 =	vadd.s32 $0x1, v53;
	v1 =	vld.idx.msk [tilespmem:v34+s18+$0x0], $0xffff  }
0xcd: {  	v26 =	vadd.s32 $0x7, v16;
	[tilespmem:$0x1FE70] =	vst v34;
	v34 =	vld.idx.msk [tilespmem:v2+s14+$0x0], $0xffff  }
0xce: {  	v2 =	vld [tilespmem:$0x1FF20]  }
0xcf: {  	v39 =	vld.idx.msk [tilespmem:v44+s18+$0x0], $0xffff  }
0xd0: {  	v33 =	vld.idx.msk [tilespmem:v42+s18+$0x0], $0xffff  }
0xd1: {  	v63 =	vld.idx.msk [tilespmem:v20+s14+$0x0], $0xffff  }
0xd2: {  	v14 =	vadd.s32 $0x2, v53;
	v58 =	vadd.f32 v30, v50;
	v30 =	vld.idx.msk [tilespmem:v26+s14+$0x0], $0xffff  }
0xd3: {  	v51 =	vmov v28;
	v7 =	vld.idx.msk [tilespmem:v54+s18+$0x0], $0xffff;
	v28 =	vadd.f32 v60, v2;
	v2 =	vadd.f32 v23, v3  }
0xd4: {  	[tilespmem:$0x1FE50] =	vst v26;
	v26 =	vld.idx.msk [tilespmem:v21+s18+$0x0], $0xffff  }
0xd5: {  	[tilespmem:$0x1FE30] =	vst v2;
	v2 =	vld [tilespmem:$0x1FF80]  }
0xd6: {  	v59 =	vadd.s32 $0x2, v16;
	v4 =	vadd.f32 v49, v4;
	v36 =	vld.idx.msk [tilespmem:v21+s14+$0x0], $0xffff  }
0xd7: {  	s31 =	smov.u32 s29;
	s1 =	sadd.s32 $0xFFFFFFFE, s30;
	v60 =	vld.idx.msk [tilespmem:v14+s14+$0x0], $0xffff;
	v23 =	vadd.f32 v46, v61  }
0xd8: {  	[tilespmem:$0x1FE20] =	vst v39;
	v46 =	vadd.f32 v48, v4;
	v48 =	vadd.f32 v24, v0;
	v0 =	vadd.s32 s1, v62;
	s1 =	sadd.s32 $0x8, s31;
	v39 =	vld.idx.msk [tilespmem:v20+s18+$0x0], $0xffff  }
0xd9: {  	v56 =	vadd.f32 v56, v38;
	v38 =	vadd.s32 s1, v31;
	v31 =	vld.idx.msk [tilespmem:v44+s14+$0x0], $0xffff  }
0xda: {  	v4 =	vadd.f32 v2, v13;
	v2 =	vld [tilespmem:$0x1FF70]  }
0xdb: {  	[tilespmem:$0x1FE10] =	vst v43;
	v43 =	vadd.s32 $0x5, v53;
	v15 =	vadd.f32 v15, v23;
	v23 =	vld.idx.msk [tilespmem:v59+s14+$0x0], $0xffff  }
0xdc: {  	v3 =	vadd.f32 v40, v28;
	v28 =	vld.idx.msk [tilespmem:v42+s14+$0x0], $0xffff  }
0xdd: {  	v8 =	vadd.f32 v18, v35;
	v18 =	vadd.s32 $0x2, v38;
	v42 =	vmul.f32 v26, v17;
	v26 =	vld.idx.msk [tilespmem:v54+s14+$0x0], $0xffff  }
0xde: {  	v35 =	vadd.s32 $0x3, v38;
	v59 =	vld.idx.msk [tilespmem:v59+s18+$0x0], $0xffff  }
0xdf: {  	v19 =	vadd.s32 $0x6, v53;
	v20 =	vadd.f32 v57, v55;
	v52 =	vadd.f32 v2, v25;
	v2 =	vld [tilespmem:$0x1FFA0]  }
0xe0: {  	v55 =	vmul.f32 v1, v12;
	v1 =	vmul.f32 v22, v17;
	v10 =	vadd.f32 v10, v3;
	v61 =	vld.idx.msk [tilespmem:v43+s14+$0x0], $0xffff  }
0xe1: {  	v0 =	vld.idx.msk [tilespmem:v0+s2+$0x0], $0xffff  }
0xe2: {  	v57 =	vmul.f32 v6, v12;
	v1 =	vadd.f32 v1, v10;
	v6 =	vld.idx.msk [tilespmem:v18+s18+$0x0], $0xffff;
	v24 =	vadd.f32 v27, v4  }
0xe3: {  	v50 =	vld.idx.msk [tilespmem:v35+s18+$0x0], $0xffff  }
0xe4: {  	v49 =	vadd.s32 $0x5, v38;
	[tilespmem:$0x1FF20] =	vst v1;
	v1 =	vld.idx.msk [tilespmem:v18+s14+$0x0], $0xffff;
	v11 =	vadd.f32 v2, v52;
	v2 =	vadd.f32 v29, v24  }
0xe5: {  	v27 =	vld.idx.msk [tilespmem:v19+s14+$0x0], $0xffff  }
0xe6: {  	v21 =	vadd.s32 $0x6, v38;
	v19 =	vld.idx.msk [tilespmem:v19+s18+$0x0], $0xffff;
	[tilespmem:$0x1FE40] =	vst v2;
	v2 =	vadd.f32 v5, v20  }
0xe7: {  	v13 =	vadd.s32 $0x1, v38;
	v24 =	vld.idx.msk [tilespmem:v47+s14+$0x0], $0xffff  }
0xe8: {  	[tilespmem:$0x1FE60] =	vst v2;
	v2 =	vld [tilespmem:$0x1FFB0]  }
0xe9: {  	v25 =	vld.idx.msk [tilespmem:v49+s18+$0x0], $0xffff  }
0xea: {  	v54 =	vmul.f32 v50, v0;
	v50 =	vld.idx.msk [tilespmem:v53+s14+$0x0], $0xffff;
	v52 =	vadd.s32 $0x4, v38  }
0xeb: {  	s31 =	sadd.s32 $0xFFFFFFFF, s30;
	v22 =	vadd.s32 $0x7, v38;
	v29 =	vld.idx.msk [tilespmem:v21+s18+$0x0], $0xffff  }
0xec: {  	v44 =	vadd.s32 s31, v62;
	v5 =	vmul.f32 v23, v12;
	v23 =	vmul.f32 v24, v17;
	v24 =	vld.idx.msk [tilespmem:v13+s18+$0x0], $0xffff  }
0xed: {  	v21 =	vld.idx.msk [tilespmem:v21+s14+$0x0], $0xffff;
	v2 =	vadd.f32 v2, v11;
	v11 =	vmul.f32 v36, v17;
	v36 =	vadd.s32 $0x6, v16  }
0xee: {  	v20 =	vmul.f32 v32, v17;
	v32 =	vld.idx.msk [tilespmem:v9+s14+$0x0], $0xffff  }
0xef: {  	v62 =	vmul.f32 v28, v17;
	v28 =	vld.idx.msk [tilespmem:v52+s18+$0x0], $0xffff;
	[tilespmem:$0x1FE90] =	vst v2;
	v2 =	vmul.f32 v30, v12  }
0xf0: {  	v41 =	vadd.s32 $0x7, v53;
	v30 =	vld.idx.msk [tilespmem:v22+s18+$0x0], $0xffff  }
0xf1: {  	[tilespmem:$0x1FEA0] =	vst v2;
	v2 =	vmul.f32 v24, v0;
	v24 =	vld.idx.msk [tilespmem:v44+s2+$0x0], $0xffff  }
0xf2: {  	v40 =	vmul.f32 v33, v17;
	v33 =	vadd.s32 $0x3, v16;
	v44 =	vld.idx.msk [tilespmem:v36+s18+$0x0], $0xffff  }
0xf3: {  	v4 =	vmul.f32 v29, v0;
	v29 =	vld.idx.msk [tilespmem:v53+s18+$0x0], $0xffff  }
0xf4: {  	v53 =	vld.idx.msk [tilespmem:v37+s14+$0x0], $0xffff  }
0xf5: {  	[tilespmem:$0x1FE80] =	vst v14;
	v26 =	vmul.f32 v26, v17;
	v3 =	vmul.f32 v28, v0;
	v28 =	vld.idx.msk [tilespmem:v41+s18+$0x0], $0xffff  }
0xf6: {  	v14 =	vmov v37;
	v37 =	vld.idx.msk [tilespmem:v49+s14+$0x0], $0xffff;
	[tilespmem:$0x1FF70] =	vst v4;
	v4 =	vmul.f32 v30, v0;
	v30 =	vmul.f32 v31, v24  }
0xf7: {  	v26 =	vadd.f32 v26, v46;
	v31 =	vld.idx.msk [tilespmem:v33+s14+$0x0], $0xffff;
	v46 =	vmul.f32 v19, v24;
	v19 =	vmul.f32 v44, v12  }
0xf8: {  	v6 =	vmul.f32 v6, v0;
	v13 =	vld.idx.msk [tilespmem:v13+s14+$0x0], $0xffff  }
0xf9: {  	v23 =	vadd.f32 v23, v56;
	v56 =	vld.idx.msk [tilespmem:v38+s14+$0x0], $0xffff;
	[tilespmem:$0x1FFB0] =	vst v19;
	v19 =	vadd.f32 v40, v45  }
0xfa: {  	[tilespmem:$0x1FF80] =	vst v4;
	v4 =	vmul.f32 v27, v24;
	v27 =	vmul.f32 v28, v24;
	v28 =	vld.idx.msk [tilespmem:v9+s18+$0x0], $0xffff  }
0xfb: {  	v18 =	vadd.s32 $0x5, v16;
	[tilespmem:$0x1FF30] =	vst v26;
	v26 =	vadd.f32 v6, v19;
	v19 =	vld.idx.msk [tilespmem:v52+s14+$0x0], $0xffff  }
0xfc: {  	v11 =	vadd.f32 v11, v48;
	v48 =	vmul.f32 v31, v12;
	v31 =	vld [tilespmem:$0x1FF60]  }
0xfd: {  	v52 =	vld [tilespmem:$0x1FDF0]  }
0xfe: {  	v1 =	vmul.f32 v1, v0;
	v6 =	vld [tilespmem:$0x1FDE0]  }
0xff: {  	v20 =	vadd.f32 v20, v58;
	v58 =	vmul.f32 v59, v12;
	v22 =	vld.idx.msk [tilespmem:v22+s14+$0x0], $0xffff;
	v49 =	vmul.f32 v34, v24  }
0x100: {  	v59 =	vmul.f32 v61, v24;
	v61 =	vld.idx.msk [tilespmem:v18+s14+$0x0], $0xffff;
	v28 =	vmul.f32 v28, v17  }
0x101: {  	v34 =	vld.idx.msk [tilespmem:v33+s18+$0x0], $0xffff;
	v40 =	vmul.f32 v29, v24;
	v29 =	vmul.f32 v53, v17;
	v31 =	vadd.f32 v62, v31  }
0x102: {  	v33 =	vld [tilespmem:$0x1FEA0];
	v28 =	vadd.f32 v28, v51  }
0x103: {  	v51 =	vld [tilespmem:$0x1FE00];
	v6 =	vadd.f32 v29, v6;
	v29 =	vmul.f32 v60, v24;
	v1 =	vadd.f32 v1, v31  }
0x104: {  	v10 =	vadd.s32 $0x4, v16;
	v2 =	vadd.f32 v2, v28;
	v28 =	vld [tilespmem:$0x1FE10]  }
0x105: {  	[tilespmem:$0x1FFA0] =	vst v46;
	v46 =	vmul.f32 v63, v24;
	v63 =	vld.idx.msk [tilespmem:v52+s14+$0x0], $0xffff;
	v1 =	vadd.f32 v29, v1  }
0x106: {  	v62 =	vld.idx.msk [tilespmem:v47+s18+$0x0], $0xffff  }
0x107: {  	v1 =	vadd.f32 v5, v1;
	v5 =	vld [tilespmem:$0x1FE30]  }
0x108: {  	v32 =	vmul.f32 v32, v17;
	v47 =	vld.idx.msk [tilespmem:v38+s18+$0x0], $0xffff  }
0x109: {  	v53 =	vadd.f32 v42, v51;
	v51 =	vld.idx.msk [tilespmem:v10+s14+$0x0], $0xffff  }
0x10a: {  	v15 =	vadd.f32 v32, v15;
	v31 =	vmul.f32 v37, v0;
	v37 =	vld.idx.msk [tilespmem:v14+s18+$0x0], $0xffff;
	v32 =	vmul.f32 v63, v17  }
0x10b: {  	v7 =	vmul.f32 v7, v17;
	v60 =	vmul.f32 v39, v24;
	v39 =	vld.idx.msk [tilespmem:v52+s18+$0x0], $0xffff  }
0x10c: {  	v21 =	vmul.f32 v21, v0;
	v29 =	vld.idx.msk [tilespmem:v41+s14+$0x0], $0xffff;
	v5 =	vadd.f32 v32, v5  }
0x10d: {  	v7 =	vadd.f32 v7, v8;
	v23 =	vadd.f32 v31, v23;
	v31 =	vld.idx.msk [tilespmem:v35+s14+$0x0], $0xffff  }
0x10e: {  	v41 =	vadd.f32 v3, v53;
	v63 =	vld [tilespmem:$0x1FE20];
	v3 =	vadd.f32 v21, v5  }
0x10f: {  	v7 =	vadd.f32 v54, v7;
	v28 =	vmul.f32 v28, v24;
	v5 =	vld [tilespmem:$0x1FE60]  }
0x110: {  	v25 =	vmul.f32 v25, v0;
	v13 =	vmul.f32 v13, v0;
	v3 =	vadd.f32 v4, v3;
	v4 =	vld [tilespmem:$0x1FE80]  }
0x111: {  	v22 =	vmul.f32 v22, v0;
	v19 =	vmul.f32 v19, v0;
	v35 =	vadd.f32 v28, v7;
	v7 =	vld.idx.msk [tilespmem:v43+s18+$0x0], $0xffff  }
0x112: {  	v2 =	vadd.f32 v60, v2;
	v54 =	vmul.f32 v62, v17;
	v38 =	vadd.f32 v59, v23;
	v23 =	vld.idx.msk [tilespmem:v10+s18+$0x0], $0xffff  }
0x113: {  	p0 =	sne.s32 s29, $0xE0;
	[tilespmem:$0x1FF60] =	vst v1;
	v1 =	vmul.f32 v56, v0;
	v56 =	vmul.f32 v61, v12;
	v61 =	vadd.f32 v13, v15;
	v15 =	vld [tilespmem:$0x1FE70]  }
.Ltmp0:
0x114: {  	v60 =	vmul.f32 v47, v0;
	v47 =	vadd.f32 v22, v6;
	v45 =	vmul.f32 v29, v24;
	v29 =	vld [tilespmem:$0x1FE40];
	(pc) =	sbr.rel @p0 .LBB2_3-.Ltmp0, $4  }
0x115: {  	v59 =	vadd.f32 v19, v11;
	v42 =	vmul.f32 v63, v24;
	v63 =	vld.idx.msk [tilespmem:v18+s18+$0x0], $0xffff;
	v9 =	vadd.f32 v54, v5  }
0x116: {  	v50 =	vmul.f32 v50, v24;
	v28 =	vadd.f32 v55, v2;
	v1 =	vadd.f32 v1, v20;
	v18 =	vld [tilespmem:$0x1FE50]  }
0x117: {  	v5 =	vmul.f32 v31, v0;
	v0 =	vadd.f32 v30, v59;
	v55 =	vadd.f32 v25, v9;
	v25 =	vld [tilespmem:$0x1FE90]  }
0x118: {  	s29 =	sadd.s32 $0x20, s29;
	s30 =	sadd.s32 $0x4, s30;
	v30 =	vmov v57;
	v57 =	vmul.f32 v7, v24;
	v43 =	vld.idx.msk [tilespmem:v4+s18+$0x0], $0xffff;
	v4 =	vmul.f32 v23, v12  }
0x119: {  	_ =	sdelay $0x3  }
0x11a: {  	v6 =	vld.idx.msk [tilespmem:v36+s14+$0x0], $0xffff  }
0x11b: {  	v1 =	vadd.f32 v50, v1;
	v50 =	vld [tilespmem:$0x1FF30]  }
0x11c: {  	v52 =	vld.idx.msk [tilespmem:v16+s18+$0x0], $0xffff  }
0x11d: {  	v11 =	vld.idx.msk [tilespmem:v15+s14+$0x0], $0xffff  }
0x11e: {  	v13 =	vld [tilespmem:$0x1FF20]  }
0x11f: {  	v54 =	vadd.f32 v46, v61;
	v61 =	vld [tilespmem:$0x1FF80]  }
0x120: {  	v21 =	vld [tilespmem:$0x1FF50]  }
0x121: {  	v22 =	vld [tilespmem:$0x1FF70]  }
0x122: {  	v23 =	vld [tilespmem:$0x1FEE0]  }
0x123: {  	v32 =	vld [tilespmem:$0x1FFB0]  }
0x124: {  	v9 =	vmul.f32 v37, v17;
	v37 =	vld [tilespmem:$0x1FF60]  }
0x125: {  	v20 =	vadd.f32 v56, v38;
	v38 =	vld [tilespmem:$0x1FF40]  }
0x126: {  	v8 =	vadd.f32 v42, v41;
	v42 =	vld [tilespmem:$0x1FF90]  }
0x127: {  	v46 =	vld [tilespmem:$0x1FFC0];
	v2 =	vmul.f32 v43, v24  }
0x128: {  	v19 =	vmul.f32 v63, v12;
	v63 =	vld [tilespmem:$0x1FED0]  }
0x129: {  	v14 =	vld.idx.msk [tilespmem:v18+s18+$0x0], $0xffff;
	v2 =	vadd.f32 v2, v26  }
0x12a: {  	v7 =	vadd.f32 v45, v47;
	v9 =	vadd.f32 v9, v29;
	v29 =	vld [tilespmem:$0x1FFA0]  }
0x12b: {  	v10 =	vmul.f32 v39, v17;
	v2 =	vadd.f32 v58, v2;
	v58 =	vld [tilespmem:$0x1FEC0]  }
0x12c: {  	v53 =	vmul.f32 v51, v12;
	v7 =	vadd.f32 v33, v7;
	v1 =	vadd.f32 v30, v1;
	v33 =	vld [tilespmem:$0x1FF10]  }
0x12d: {  	v4 =	vadd.f32 v4, v8;
	v8 =	vmul.f32 v52, v12;
	v52 =	vld [tilespmem:$0x1FFD0]  }
0x12e: {  	v0 =	vadd.f32 v53, v0;
	v10 =	vadd.f32 v10, v25;
	v1 =	vmax.f32 v1, $0.0e+00;
	v62 =	vld.idx.msk [tilespmem:v21+s16+$0x0], $0xffff  }
0x12f: {  	v5 =	vadd.f32 v5, v50;
	v6 =	vmul.f32 v6, v12;
	v13 =	vadd.f32 v60, v13;
	v21 =	vld.idx.msk [tilespmem:v21+s20+$0x0], $0xffff  }
0x130: {  	v0 =	vmax.f32 v0, $0.0e+00;
	v9 =	vadd.f32 v61, v9;
	v10 =	vadd.f32 v22, v10;
	v30 =	vld.idx.msk [tilespmem:v23+s16+$0x0], $0xffff  }
0x131: {  	v60 =	vmul.f32 v34, v12;
	v5 =	vadd.f32 v49, v5;
	v3 =	vadd.f32 v6, v3;
	v24 =	vld.idx.msk [tilespmem:v63+s16+$0x0], $0xffff  }
0x132: {  	v11 =	vmul.f32 v11, v12;
	v13 =	vadd.f32 v40, v13;
	v9 =	vadd.f32 v27, v9;
	v22 =	vld.idx.msk [tilespmem:v63+s20+$0x0], $0xffff  }
0x133: {  	v4 =	vmax.f32 v4, $0.0e+00;
	v26 =	vadd.f32 v60, v35;
	v27 =	vadd.f32 v57, v55;
	v59 =	vld.idx.msk [tilespmem:v58+s17+$0x0], $0xffff  }
0x134: {  	v25 =	vmul.f32 v14, v12;
	v6 =	vadd.f32 v11, v54;
	v8 =	vadd.f32 v8, v13;
	v18 =	vld.idx.msk [tilespmem:v58+s21+$0x0], $0xffff  }
0x135: {  	v10 =	vadd.f32 v29, v10;
	v35 =	vmax.f32 v28, $0.0e+00;
	v60 =	vmax.f32 v7, $0.0e+00;
	v31 =	vld.idx.msk [tilespmem:v23+s20+$0x0], $0xffff  }
0x136: {  	v39 =	vld.idx.msk [tilespmem:v38+s16+$0x0], $0xffff;
	v5 =	vadd.f32 v48, v5;
	v8 =	vmax.f32 v8, $0.0e+00;
	v1 =	vmul.f32 v62, v1  }
0x137: {  	v17 =	vadd.f32 v19, v27;
	v6 =	vmax.f32 v6, $0.0e+00;
	v34 =	vld.idx.msk [tilespmem:v33+s16+$0x0], $0xffff;
	v8 =	vmul.f32 v21, v8  }
0x138: {  	v10 =	vadd.f32 v32, v10;
	v36 =	vld.idx.msk [tilespmem:v33+s20+$0x0], $0xffff;
	v6 =	vmul.f32 v24, v6;
	v1 =	vadd.f32 v1, v59  }
0x139: {  	v41 =	vld.idx.msk [tilespmem:v38+s20+$0x0], $0xffff;
	v13 =	vmul.f32 v22, v35;
	v8 =	vadd.f32 v8, v18;
	v18 =	vmax.f32 v37, $0.0e+00  }
0x13a: {  	v43 =	vld.idx.msk [tilespmem:v42+s16+$0x0], $0xffff;
	v2 =	vmax.f32 v2, $0.0e+00;
	v40 =	vmul.f32 v30, v18;
	v1 =	vadd.f32 v6, v1  }
0x13b: {  	v45 =	vld.idx.msk [tilespmem:v42+s20+$0x0], $0xffff;
	v5 =	vmax.f32 v5, $0.0e+00;
	v2 =	vmul.f32 v31, v2;
	v8 =	vadd.f32 v13, v8  }
0x13c: {  	v47 =	vld.idx.msk [tilespmem:v46+s16+$0x0], $0xffff;
	v44 =	vmax.f32 v26, $0.0e+00;
	v5 =	vmul.f32 v34, v5;
	v1 =	vadd.f32 v40, v1  }
0x13d: {  	v48 =	vmax.f32 v20, $0.0e+00;
	v58 =	vld [tilespmem:$0x1FEB0];
	v6 =	vmul.f32 v36, v44;
	v2 =	vadd.f32 v2, v8  }
0x13e: {  	v49 =	vld.idx.msk [tilespmem:v46+s20+$0x0], $0xffff;
	v3 =	vmax.f32 v3, $0.0e+00;
	v0 =	vmul.f32 v39, v0;
	v1 =	vadd.f32 v5, v1  }
0x13f: {  	v9 =	vadd.f32 v25, v9;
	v4 =	vmul.f32 v41, v4;
	v53 =	vld.idx.msk [tilespmem:v52+s16+$0x0], $0xffff;
	v2 =	vadd.f32 v6, v2  }
0x140: {  	v51 =	vmax.f32 v17, $0.0e+00;
	v50 =	vmul.f32 v43, v48;
	v55 =	vld.idx.msk [tilespmem:v52+s20+$0x0], $0xffff;
	v0 =	vadd.f32 v0, v1  }
0x141: {  	v57 =	vmax.f32 v10, $0.0e+00;
	v54 =	vmul.f32 v45, v51;
	v2 =	vadd.f32 v4, v2  }
0x142: {  	v56 =	vmul.f32 v47, v3;
	v4 =	vmul.u32 $0x3, v58;
	v0 =	vadd.f32 v50, v0  }
0x143: {  	s28 =	sadd.s32 $0x1, s28;
	v61 =	vmax.f32 v9, $0.0e+00;
	v59 =	vmul.f32 v49, v57;
	v2 =	vadd.f32 v54, v2  }
0x144: {  	p0 =	sne.s32 s28, $0x20;
	v3 =	vmul.f32 v53, v60;
	v62 =	vadd.s32 $0x1, v4;
	v0 =	vadd.f32 v56, v0  }
.Ltmp1:
0x145: {  	v63 =	vmul.f32 v55, v61;
	v1 =	vadd.f32 v59, v2;
	(pc) =	sbr.rel @p0 .LBB2_2-.Ltmp1, $4  }
0x146: {  	v0 =	vadd.f32 v3, v0  }
0x147: {  	v1 =	vadd.f32 v63, v1  }
0x148: {  	[tilespmem:v4+s23+$0x0] =	vst.idx.msk $0xffff, v0  }
0x149: {  	[tilespmem:v62+s23+$0x0] =	vst.idx.msk $0xffff, v1  }
0x14a: {  	v2 =	vld [tilespmem:$0x1FFF0];
	_ =	sdelay $0x3  }
0x14b: {  	s0 =	simm.s32 $0x0  }
0x14c: {  	v0 =	vadd.s32 s0, v2;
	_ =	sdelay $0x4  }
0x14d: {  	s30 =	simm.s32 $0x18;
	v0 =	vld.idx.msk [tilespmem:v0+s23+$0x0], $0xffff  }
0x14e: {  	v1 =	vadd.s32 s30, v2;
	_ =	sdelay $0x2  }
0x14f: {  	s28 =	simm.s32 $0x12C00  }
0x150: {  	[tilespmem:s28+$0x0] =	vst v0  }
0x151: {  	s31 =	simm.s32 $0x30;
	v0 =	vld.idx.msk [tilespmem:v1+s23+$0x0], $0xffff  }
0x152: {  	s29 =	simm.s32 $0x48;
	v1 =	vadd.s32 s31, v2  }
.LBB2_6:
0x153: {  	p0 =	sne.s32 s29, $0x5E8;
	_ =	sdelay $0x1  }
.Ltmp2:
0x154: {  	s28 =	sadd.s32 $0x10, s28;
	(pc) =	sbr.rel @p0 .LBB2_6-.Ltmp2, $3  }
0x155: {  	[tilespmem:s28+$0x0] =	vst v0  }
0x156: {  	v0 =	vld.idx.msk [tilespmem:v1+s23+$0x0], $0xffff;
	_ =	sdelay $0x1  }
0x157: {  	v1 =	vadd.s32 s29, v2;
	s29 =	sadd.s32 $0x18, s29  }
0x158: {  	_ =	sdelay $0x1  }
0x159: {  	s0 =	sadd.s32 $0x10, s28  }
0x15a: {  	[tilespmem:s0+$0x0] =	vst v0  }
0x15b: {  	v0 =	vld.idx.msk [tilespmem:v1+s23+$0x0], $0xffff;
	_ =	sdelay $0x2  }
0x15c: {  	s26 =	sadd.s32 $0x1, s26  }
0x15d: {  	p0 =	sne.s32 s26, s13;
	s0 =	sadd.s32 $0x10, s0  }
.Ltmp3:
0x15e: {  	[tilespmem:s0+$0x0] =	vst v0;
	(pc) =	sbr.rel @p0 .LBB2_1-.Ltmp3, $4  }
0x15f: {  	[hbm4b:s12+s2] =	stream.linear.scatter [tilespmem:s24], [sflag:$0x2], $0x400, $0x38;
	[tilespmem:$0x13000] =	vst v63  }
0x160: {  	_ =	swait.ge [sflag:s25], $0x400  }
0x161: {  	[sflag:s25] =	ssyncset.done $0x0  }
0x162: {  	[sflag:s25] =	ssyncadd.s32 $0xFFFFFC00  }
0x163: {  	_ =	sfence.sel $0x180000  }
0x164: {  	[bflag:$0x0] =	sbarrier.arrive $0xFFFF  }
0x165: {  	_ =	strace $0x90000047  }
0x166: {  	s0 =	stileid.u32;
	[bflag:$0x2] =	sbarrier.arrive $0xFFFF  }
0x167: {  	p0 =	sne.s32 s0, $0x0;
	s0 =	rddreg [dreg:$0x2]  }
0x168: {  	s0 =	sadd.s32 @!p0 $0x100000, s0  }
0x169: {  	[sflag:s0] =	ssyncadd.tile.s32 @!p0 $0x1;
	_ =	shalt  }
.Lfunc_end2:
_tile_overlayer_lowered:
.L_overlay_start_2:
0x16a: {  	(tag) =	ssettag $0x2  }
0x16b: {  	s0 =	rddreg [dreg:$0x0];
	s2 =	stileid.u32  }
0x16c: {  	s1 =	rddreg [dreg:$0x1];
	p0 =	sne.s32 s2, $0x0  }
0x16d: {  	s3 =	rddreg [dreg:$0x2];
	[bflag:$0x3] =	sbarrier.arrive $0xFFFF;
	s2 =	simm.s32 @!p0 $0x1C02  }
0x16e: {  	[timem:s3], [sflag:s2] =	dma.local @!p0 [hbm:s0], s1  }
0x16f: {  	s0 =	simm.s32 @!p0 $0x2  }
0x170: {  	_ =	swait.ge @!p0 [sflag:s0], s1  }
0x171: {  	s1 =	ssub.s32 @!p0 $0x0, s1;
	[sflag:s0] =	ssyncset.done @!p0 $0x0  }
0x172: {  	[sflag:s0] =	ssyncadd.s32 @!p0 s1  }
0x173: {  	[bflag:$0x3] =	sbarrier.arrive $0xFFFF  }
0x174: {  	_ =	shalt  }

</sc_bundles>
